<compile_context>
chip_gen: v7x
topology: tpu7x:2x2x1
jax: 0.10.2.dev20260603
libtpu: 0.0.44.dev20260713+nightly
codegen_flags: <defaults>
</compile_context>

<pallas_src>
import functools

import jax
import jax.numpy as jnp
from jax import lax
from jax.experimental import pallas as pl
from jax.experimental.pallas import tpu as pltpu
from jax.experimental.pallas import tpu_sc as plsc

TOP_K = 2
EXPLORATION_BONUS = 0.1


def _tc_body(x_ref, w1t_ref, b1_ref, w2_ref, b2_ref, s1t_ref, s1b_ref,
             s2t_ref, s2b_ref, we_ref, be_ref, sc_ref, pr_ref,
             w1_scr, s1_scr, s2_scr, web_scr):
    @pl.when(pl.program_id(0) == 0)
    def _prep():
        w1_scr[...] = w1t_ref[...].T
        s1_scr[...] = s1t_ref[...].T
        s2_scr[...] = s2t_ref[...].T
        web_scr[...] = we_ref[...].T.astype(jnp.bfloat16)

    xt = x_ref[...]
    xb = xt.astype(jnp.bfloat16)
    h = jnp.maximum(
        jnp.dot(xt, w1_scr[...], preferred_element_type=jnp.float32)
        + b1_ref[...].reshape(1, -1), 0.0)
    ctx = jnp.tanh(
        jnp.dot(h, w2_ref[...], preferred_element_type=jnp.float32)
        + b2_ref[...].reshape(1, -1))
    sh = jnp.maximum(
        jnp.dot(ctx, s1_scr[...], preferred_element_type=jnp.float32)
        + s1b_ref[...].reshape(1, -1), 0.0)
    scores = (jnp.dot(sh, s2_scr[...], preferred_element_type=jnp.float32)
              + s2b_ref[...].reshape(1, -1) + EXPLORATION_BONUS)
    preds = (jnp.dot(xb, web_scr[...], preferred_element_type=jnp.float32)
             + be_ref[...].reshape(1, -1))
    sc_ref[...] = scores.T
    pr_ref[...] = preds.T


def _sc_route(scores_hbm, preds_hbm, pred_hbm, rw_hbm,
              sc_v, pr_v, po_v, w1_v, w2_v, *, n_experts, chunk, lanes,
              num_cores):
    wid = lax.axis_index("s") * num_cores + lax.axis_index("c")
    base = wid * chunk
    pltpu.sync_copy(scores_hbm.at[:, pl.ds(base, chunk)], sc_v)
    pltpu.sync_copy(preds_hbm.at[:, pl.ds(base, chunk)], pr_v)

    def body(g, carry):
        col0 = g * lanes
        m1 = sc_v[0, pl.ds(col0, lanes)]
        i1 = jnp.zeros((lanes,), jnp.float32)
        m2 = jnp.full((lanes,), -jnp.inf, jnp.float32)
        i2 = jnp.zeros((lanes,), jnp.float32)
        for e in range(1, n_experts):
            s = sc_v[e, pl.ds(col0, lanes)]
            gt1 = s > m1
            gt2 = s > m2
            i2 = jnp.where(gt1, i1, jnp.where(gt2, float(e), i2))
            m2 = jnp.where(gt1, m1, jnp.where(gt2, s, m2))
            i1 = jnp.where(gt1, float(e), i1)
            m1 = jnp.where(gt1, s, m1)
        e2 = jnp.exp(m2 - m1)
        den = 1.0 + e2
        w1 = 1.0 / den
        w2 = e2 / den
        cols = col0 + lax.iota(jnp.int32, lanes)
        p1 = plsc.load_gather(pr_v, [i1.astype(jnp.int32), cols])
        p2 = plsc.load_gather(pr_v, [i2.astype(jnp.int32), cols])
        po_v[pl.ds(col0, lanes)] = w1 * p1 + w2 * p2
        w1_v[pl.ds(col0, lanes)] = w1
        w2_v[pl.ds(col0, lanes)] = w2
        return carry

    lax.fori_loop(0, chunk // lanes, body, 0)
    pltpu.sync_copy(po_v, pred_hbm.at[pl.ds(base, chunk)])
    pltpu.sync_copy(w1_v, rw_hbm.at[0, pl.ds(base, chunk)])
    pltpu.sync_copy(w2_v, rw_hbm.at[1, pl.ds(base, chunk)])


def kernel(x, W1, b1, W2, b2, S1, s1, S2, s2, We, be):
    n, d = x.shape
    e = S2.shape[1]
    hid1 = W1.shape[1]
    ctxd = W2.shape[1]
    hid2 = S1.shape[1]

    tile = 4096
    grid = n // tile
    c1 = lambda i: (0,)
    c2 = lambda i: (0, 0)

    scores_t, preds_t = pl.pallas_call(
        _tc_body,
        grid=(grid,),
        in_specs=[
            pl.BlockSpec((tile, d), lambda i: (i, 0)),
            pl.BlockSpec((hid1, d), c2),
            pl.BlockSpec((hid1,), c1),
            pl.BlockSpec((hid1, ctxd), c2),
            pl.BlockSpec((ctxd,), c1),
            pl.BlockSpec((hid2, ctxd), c2),
            pl.BlockSpec((hid2,), c1),
            pl.BlockSpec((e, hid2), c2),
            pl.BlockSpec((e,), c1),
            pl.BlockSpec((e, d), c2),
            pl.BlockSpec((e,), c1),
        ],
        out_specs=[
            pl.BlockSpec((e, tile), lambda i: (0, i)),
            pl.BlockSpec((e, tile), lambda i: (0, i)),
        ],
        out_shape=[
            jax.ShapeDtypeStruct((e, n), jnp.float32),
            jax.ShapeDtypeStruct((e, n), jnp.float32),
        ],
        scratch_shapes=[
            pltpu.VMEM((d, hid1), jnp.float32),
            pltpu.VMEM((ctxd, hid2), jnp.float32),
            pltpu.VMEM((hid2, e), jnp.float32),
            pltpu.VMEM((d, e), jnp.bfloat16),
        ],
    )(x, W1.T, b1, W2, b2, S1.T, s1, S2.T, s2, We[:, :, 0], be.reshape(e))

    info = plsc.get_sparse_core_info()
    nw = info.num_cores * info.num_subcores
    lanes = info.num_lanes
    chunk = n // nw
    mesh = plsc.VectorSubcoreMesh(core_axis_name="c", subcore_axis_name="s")

    route = functools.partial(
        pl.kernel,
        mesh=mesh,
        compiler_params=pltpu.CompilerParams(needs_layout_passes=False),
        out_type=[
            jax.ShapeDtypeStruct((n,), jnp.float32),
            jax.ShapeDtypeStruct((TOP_K, n), jnp.float32),
        ],
        scratch_types=[
            pltpu.VMEM((e, chunk), jnp.float32),
            pltpu.VMEM((e, chunk), jnp.float32),
            pltpu.VMEM((chunk,), jnp.float32),
            pltpu.VMEM((chunk,), jnp.float32),
            pltpu.VMEM((chunk,), jnp.float32),
        ],
    )(functools.partial(_sc_route, n_experts=e, chunk=chunk, lanes=lanes,
                        num_cores=info.num_cores))

    pred, rw = route(scores_t, preds_t)
    return (pred.reshape(n, 1), rw.T)

# --- scband reference (transcript-rebuilt; emitter-appended) ---
"""Pipeline reference for scband-contextual-bandit-router-18339510354409 (READ-ONLY COPY).

The authoritative reference and input builder live on the scoring server;
editing this copy changes nothing except your own understanding.
"""

import jax, jax.numpy as jnp
import numpy as np

# ROUTER_CONFIG assumptions (global in original code):
# top_k_active=2, exploration_bonus=0.1, ema_alpha=0.99, entropy_regularization=0.01, context_dims=128
TOP_K = 2
EXPLORATION_BONUS = 0.1
N, D, E, CTX, HID1, HID2, OUT = 32768, 768, 16, 128, 64, 32, 1


def setup_inputs(seed: int = 0) -> dict:
    key = jax.random.key(seed)
    ks = jax.random.split(key, 12)
    x = jax.random.normal(ks[0], (N, D), dtype=jnp.float32)
    # context_encoder: Linear(D,64) -> ReLU -> Dropout(eval: identity) -> Linear(64,CTX) -> Tanh
    W1 = jax.random.normal(ks[1], (D, HID1), dtype=jnp.float32) / np.sqrt(D)
    b1 = jnp.zeros((HID1,), dtype=jnp.float32)
    W2 = jax.random.normal(ks[2], (HID1, CTX), dtype=jnp.float32) / np.sqrt(HID1)
    b2 = jnp.zeros((CTX,), dtype=jnp.float32)
    # expert_scorer: Linear(CTX,32) -> ReLU -> Linear(32,E)
    S1 = jax.random.normal(ks[3], (CTX, HID2), dtype=jnp.float32) / np.sqrt(CTX)
    s1 = jnp.zeros((HID2,), dtype=jnp.float32)
    S2 = jax.random.normal(ks[4], (HID2, E), dtype=jnp.float32) / np.sqrt(HID2)
    s2 = jnp.zeros((E,), dtype=jnp.float32)
    # expert_modules modeled as E independent Linear(D, OUT) regressors
    We = jax.random.normal(ks[5], (E, D, OUT), dtype=jnp.float32) / np.sqrt(D)
    be = jnp.zeros((E, OUT), dtype=jnp.float32)
    return {"x": x, "W1": W1, "b1": b1, "W2": W2, "b2": b2,
            "S1": S1, "s1": s1, "S2": S2, "s2": s2, "We": We, "be": be}


def reference(x, W1, b1, W2, b2, S1, s1, S2, s2, We, be):
    # encode_context
    h = jax.nn.relu(x @ W1 + b1)
    ctx = jnp.tanh(h @ W2 + b2)
    # compute_ucb_scores: total_selections == 0 branch ->
    #   exploration_bonus = ones * EXPLORATION_BONUS; avg_rewards = zeros
    scorer_h = jax.nn.relu(ctx @ S1 + s1)
    expert_scores = scorer_h @ S2 + s2
    ucb_scores = expert_scores + jnp.zeros((E,), dtype=x.dtype) + EXPLORATION_BONUS
    # select_experts: top-k + softmax over top-k values
    top_vals, top_idx = jax.lax.top_k(ucb_scores, TOP_K)
    routing_weights = jax.nn.softmax(top_vals, axis=1)
    # experts: compute every expert head densely, then gather selected ones
    all_preds = jnp.einsum('nd,edo->neo', x, We) + be[None, :, :]
    sel_preds = jnp.take_along_axis(all_preds, top_idx[:, :, None], axis=1)
    predictions = jnp.sum(routing_weights[:, :, None] * sel_preds, axis=1)
    return (predictions, routing_weights)


if False:  # reference __main__ guard neutralized (emitter)
    out = reference(**setup_inputs())
    print(out[0].shape, out[1].shape)

if __name__ == "__main__":
    import jax
    _d = setup_inputs()
    print(jax.jit(kernel)(*tuple(_d.values())))

</pallas_src>

<mosaic_0001>
#map = affine_map<(d0, d1) -> (0, 0)>
#map1 = affine_map<(d0, d1) -> (0)>
module attributes {stable_mosaic.version = 14 : i64} {
  func.func @_sc_route(%arg0: i32, %arg1: i32, %arg2: memref<16x32768xf32, #tpu.memory_space<hbm>>, %arg3: memref<16x32768xf32, #tpu.memory_space<hbm>>, %arg4: memref<32768xf32, #tpu.memory_space<hbm>>, %arg5: memref<2x32768xf32, #tpu.memory_space<hbm>>, %arg6: memref<16x1024xf32, #tpu.memory_space<vmem>>, %arg7: memref<16x1024xf32, #tpu.memory_space<vmem>>, %arg8: memref<1024xf32, #tpu.memory_space<vmem>>, %arg9: memref<1024xf32, #tpu.memory_space<vmem>>, %arg10: memref<1024xf32, #tpu.memory_space<vmem>>) attributes {dimension_semantics = [#tpu.dimension_semantics<core_parallel>, #tpu.dimension_semantics<subcore_parallel>], iteration_bounds = array<i64: 2, 16>, scalar_prefetch = 0 : i64, scratch_operands = 5 : i64, tpu.core_type = #tpu.core_type<sc_vector_subcore>, window_params = [{transform_indices = #map}, {transform_indices = #map}, {transform_indices = #map1}, {transform_indices = #map}]} {
    %mul3A = arith.constant 2 : i32
    %mul3A_0 = arith.muli %arg1, %mul3A : i32
    %add3A = arith.addi %mul3A_0, %arg0 : i32
    %mul3A_1 = arith.constant 1024 : i32
    %mul3A_2 = arith.muli %add3A, %mul3A_1 : i32
    "tpu.region"() ({
      %run_scoped3A_9 = tpu.sem_alloc : memref<!tpu.dma_semaphore, #tpu.memory_space<semaphore_mem>>
      %dma_start3A = arith.constant 0 : i32
      %dma_start3A_10 = tpu.memref_slice %arg2[%dma_start3A, %mul3A_2] : memref<16x32768xf32, #tpu.memory_space<hbm>> -> memref<16x1024xf32, #tpu.memory_space<hbm>>
      %dma_start3A_11 = arith.constant 0 : i32
      %dma_start3A_12 = tpu.memref_slice %arg2[%dma_start3A_11, %mul3A_2] : memref<16x32768xf32, #tpu.memory_space<hbm>> -> memref<16x1024xf32, #tpu.memory_space<hbm>>
      tpu.enqueue_dma source(%dma_start3A_12 : memref<16x1024xf32, #tpu.memory_space<hbm>>) target(%arg6 : memref<16x1024xf32, #tpu.memory_space<vmem>>) target_semaphore(%run_scoped3A_9 : memref<!tpu.dma_semaphore, #tpu.memory_space<semaphore_mem>>)
      %dma_wait3A = arith.constant 0 : i32
      %dma_wait3A_13 = tpu.memref_slice %arg2[%dma_wait3A, %mul3A_2] : memref<16x32768xf32, #tpu.memory_space<hbm>> -> memref<16x1024xf32, #tpu.memory_space<hbm>>
      %dma_wait3A_14 = arith.constant 0 : i32
      %dma_wait3A_15 = tpu.memref_slice %arg2[%dma_wait3A_14, %mul3A_2] : memref<16x32768xf32, #tpu.memory_space<hbm>> -> memref<16x1024xf32, #tpu.memory_space<hbm>>
      tpu.wait_dma2 semaphore(%run_scoped3A_9 : memref<!tpu.dma_semaphore, #tpu.memory_space<semaphore_mem>>) src(%dma_wait3A_15 : memref<16x1024xf32, #tpu.memory_space<hbm>>) dst(%arg6 : memref<16x1024xf32, #tpu.memory_space<vmem>>)
      tpu.yield
    }) : () -> ()
    "tpu.region"() ({
      %run_scoped3A_9 = tpu.sem_alloc : memref<!tpu.dma_semaphore, #tpu.memory_space<semaphore_mem>>
      %dma_start3A = arith.constant 0 : i32
      %dma_start3A_10 = tpu.memref_slice %arg3[%dma_start3A, %mul3A_2] : memref<16x32768xf32, #tpu.memory_space<hbm>> -> memref<16x1024xf32, #tpu.memory_space<hbm>>
      %dma_start3A_11 = arith.constant 0 : i32
      %dma_start3A_12 = tpu.memref_slice %arg3[%dma_start3A_11, %mul3A_2] : memref<16x32768xf32, #tpu.memory_space<hbm>> -> memref<16x1024xf32, #tpu.memory_space<hbm>>
      tpu.enqueue_dma source(%dma_start3A_12 : memref<16x1024xf32, #tpu.memory_space<hbm>>) target(%arg7 : memref<16x1024xf32, #tpu.memory_space<vmem>>) target_semaphore(%run_scoped3A_9 : memref<!tpu.dma_semaphore, #tpu.memory_space<semaphore_mem>>)
      %dma_wait3A = arith.constant 0 : i32
      %dma_wait3A_13 = tpu.memref_slice %arg3[%dma_wait3A, %mul3A_2] : memref<16x32768xf32, #tpu.memory_space<hbm>> -> memref<16x1024xf32, #tpu.memory_space<hbm>>
      %dma_wait3A_14 = arith.constant 0 : i32
      %dma_wait3A_15 = tpu.memref_slice %arg3[%dma_wait3A_14, %mul3A_2] : memref<16x32768xf32, #tpu.memory_space<hbm>> -> memref<16x1024xf32, #tpu.memory_space<hbm>>
      tpu.wait_dma2 semaphore(%run_scoped3A_9 : memref<!tpu.dma_semaphore, #tpu.memory_space<semaphore_mem>>) src(%dma_wait3A_15 : memref<16x1024xf32, #tpu.memory_space<hbm>>) dst(%arg7 : memref<16x1024xf32, #tpu.memory_space<vmem>>)
      tpu.yield
    }) : () -> ()
    %scan3A = arith.constant 0 : i32
    %scan3A_3 = arith.constant 0 : i32
    %scan3A_4 = arith.constant 64 : i32
    %scan3A_5 = arith.addi %scan3A_3, %scan3A_4 : i32
    %scan3A_6 = arith.constant 1 : i32
    scf.for %scan3A_9 = %scan3A_3 to %scan3A_5 step %scan3A_6  : i32 {
      %mul3A_10 = arith.constant 16 : i32
      %mul3A_11 = arith.muli %scan3A_9, %mul3A_10 : i32
      %get3A = arith.constant 0 : i32
      %get3A_12 = arith.index_cast %get3A : i32 to index
      %get3A_13 = arith.index_cast %mul3A_11 : i32 to index
      %get3A_14 = tpu.vector_load %arg6[%get3A_12, %get3A_13] {strides = array<i32>} : memref<16x1024xf32, #tpu.memory_space<vmem>>, vector<16xf32>,
      %broadcast_in_dim3A = arith.constant 0.000000e+00 : f32
      %broadcast_in_dim3A_15 = vector.broadcast %broadcast_in_dim3A : f32 to vector<16xf32>
      %broadcast_in_dim3A_16 = arith.constant 0xFF800000 : f32
      %broadcast_in_dim3A_17 = vector.broadcast %broadcast_in_dim3A_16 : f32 to vector<16xf32>
      %broadcast_in_dim3A_18 = arith.constant 0.000000e+00 : f32
      %broadcast_in_dim3A_19 = vector.broadcast %broadcast_in_dim3A_18 : f32 to vector<16xf32>
      %get3A_20 = arith.constant 1 : i32
      %get3A_21 = arith.index_cast %get3A_20 : i32 to index
      %get3A_22 = arith.index_cast %mul3A_11 : i32 to index
      %get3A_23 = tpu.vector_load %arg6[%get3A_21, %get3A_22] {strides = array<i32>} : memref<16x1024xf32, #tpu.memory_space<vmem>>, vector<16xf32>,
      %gt3A = arith.cmpf ogt, %get3A_23, %get3A_14 : vector<16xf32>
      %gt3A_24 = arith.cmpf ogt, %get3A_23, %broadcast_in_dim3A_17 : vector<16xf32>
      %jit3A = arith.constant 1.000000e+00 : f32
      %broadcast_in_dim3A_25 = vector.broadcast %jit3A : f32 to vector<16xf32>
      %select_n3A = arith.select %gt3A_24, %broadcast_in_dim3A_25, %broadcast_in_dim3A_19 : vector<16xi1>, vector<16xf32>
      %select_n3A_26 = arith.select %gt3A, %broadcast_in_dim3A_15, %select_n3A : vector<16xi1>, vector<16xf32>
      %select_n3A_27 = arith.select %gt3A_24, %get3A_23, %broadcast_in_dim3A_17 : vector<16xi1>, vector<16xf32>
      %select_n3A_28 = arith.select %gt3A, %get3A_14, %select_n3A_27 : vector<16xi1>, vector<16xf32>
      %jit3A_29 = arith.constant 1.000000e+00 : f32
      %broadcast_in_dim3A_30 = vector.broadcast %jit3A_29 : f32 to vector<16xf32>
      %select_n3A_31 = arith.select %gt3A, %broadcast_in_dim3A_30, %broadcast_in_dim3A_15 : vector<16xi1>, vector<16xf32>
      %select_n3A_32 = arith.select %gt3A, %get3A_23, %get3A_14 : vector<16xi1>, vector<16xf32>
      %get3A_33 = arith.constant 2 : i32
      %get3A_34 = arith.index_cast %get3A_33 : i32 to index
      %get3A_35 = arith.index_cast %mul3A_11 : i32 to index
      %get3A_36 = tpu.vector_load %arg6[%get3A_34, %get3A_35] {strides = array<i32>} : memref<16x1024xf32, #tpu.memory_space<vmem>>, vector<16xf32>,
      %gt3A_37 = arith.cmpf ogt, %get3A_36, %select_n3A_32 : vector<16xf32>
      %gt3A_38 = arith.cmpf ogt, %get3A_36, %select_n3A_28 : vector<16xf32>
      %jit3A_39 = arith.constant 2.000000e+00 : f32
      %broadcast_in_dim3A_40 = vector.broadcast %jit3A_39 : f32 to vector<16xf32>
      %select_n3A_41 = arith.select %gt3A_38, %broadcast_in_dim3A_40, %select_n3A_26 : vector<16xi1>, vector<16xf32>
      %select_n3A_42 = arith.select %gt3A_37, %select_n3A_31, %select_n3A_41 : vector<16xi1>, vector<16xf32>
      %select_n3A_43 = arith.select %gt3A_38, %get3A_36, %select_n3A_28 : vector<16xi1>, vector<16xf32>
      %select_n3A_44 = arith.select %gt3A_37, %select_n3A_32, %select_n3A_43 : vector<16xi1>, vector<16xf32>
      %jit3A_45 = arith.constant 2.000000e+00 : f32
      %broadcast_in_dim3A_46 = vector.broadcast %jit3A_45 : f32 to vector<16xf32>
      %select_n3A_47 = arith.select %gt3A_37, %broadcast_in_dim3A_46, %select_n3A_31 : vector<16xi1>, vector<16xf32>
      %select_n3A_48 = arith.select %gt3A_37, %get3A_36, %select_n3A_32 : vector<16xi1>, vector<16xf32>
      %get3A_49 = arith.constant 3 : i32
      %get3A_50 = arith.index_cast %get3A_49 : i32 to index
      %get3A_51 = arith.index_cast %mul3A_11 : i32 to index
      %get3A_52 = tpu.vector_load %arg6[%get3A_50, %get3A_51] {strides = array<i32>} : memref<16x1024xf32, #tpu.memory_space<vmem>>, vector<16xf32>,
      %gt3A_53 = arith.cmpf ogt, %get3A_52, %select_n3A_48 : vector<16xf32>
      %gt3A_54 = arith.cmpf ogt, %get3A_52, %select_n3A_44 : vector<16xf32>
      %jit3A_55 = arith.constant 3.000000e+00 : f32
      %broadcast_in_dim3A_56 = vector.broadcast %jit3A_55 : f32 to vector<16xf32>
      %select_n3A_57 = arith.select %gt3A_54, %broadcast_in_dim3A_56, %select_n3A_42 : vector<16xi1>, vector<16xf32>
      %select_n3A_58 = arith.select %gt3A_53, %select_n3A_47, %select_n3A_57 : vector<16xi1>, vector<16xf32>
      %select_n3A_59 = arith.select %gt3A_54, %get3A_52, %select_n3A_44 : vector<16xi1>, vector<16xf32>
      %select_n3A_60 = arith.select %gt3A_53, %select_n3A_48, %select_n3A_59 : vector<16xi1>, vector<16xf32>
      %jit3A_61 = arith.constant 3.000000e+00 : f32
      %broadcast_in_dim3A_62 = vector.broadcast %jit3A_61 : f32 to vector<16xf32>
      %select_n3A_63 = arith.select %gt3A_53, %broadcast_in_dim3A_62, %select_n3A_47 : vector<16xi1>, vector<16xf32>
      %select_n3A_64 = arith.select %gt3A_53, %get3A_52, %select_n3A_48 : vector<16xi1>, vector<16xf32>
      %get3A_65 = arith.constant 4 : i32
      %get3A_66 = arith.index_cast %get3A_65 : i32 to index
      %get3A_67 = arith.index_cast %mul3A_11 : i32 to index
      %get3A_68 = tpu.vector_load %arg6[%get3A_66, %get3A_67] {strides = array<i32>} : memref<16x1024xf32, #tpu.memory_space<vmem>>, vector<16xf32>,
      %gt3A_69 = arith.cmpf ogt, %get3A_68, %select_n3A_64 : vector<16xf32>
      %gt3A_70 = arith.cmpf ogt, %get3A_68, %select_n3A_60 : vector<16xf32>
      %jit3A_71 = arith.constant 4.000000e+00 : f32
      %broadcast_in_dim3A_72 = vector.broadcast %jit3A_71 : f32 to vector<16xf32>
      %select_n3A_73 = arith.select %gt3A_70, %broadcast_in_dim3A_72, %select_n3A_58 : vector<16xi1>, vector<16xf32>
      %select_n3A_74 = arith.select %gt3A_69, %select_n3A_63, %select_n3A_73 : vector<16xi1>, vector<16xf32>
      %select_n3A_75 = arith.select %gt3A_70, %get3A_68, %select_n3A_60 : vector<16xi1>, vector<16xf32>
      %select_n3A_76 = arith.select %gt3A_69, %select_n3A_64, %select_n3A_75 : vector<16xi1>, vector<16xf32>
      %jit3A_77 = arith.constant 4.000000e+00 : f32
      %broadcast_in_dim3A_78 = vector.broadcast %jit3A_77 : f32 to vector<16xf32>
      %select_n3A_79 = arith.select %gt3A_69, %broadcast_in_dim3A_78, %select_n3A_63 : vector<16xi1>, vector<16xf32>
      %select_n3A_80 = arith.select %gt3A_69, %get3A_68, %select_n3A_64 : vector<16xi1>, vector<16xf32>
      %get3A_81 = arith.constant 5 : i32
      %get3A_82 = arith.index_cast %get3A_81 : i32 to index
      %get3A_83 = arith.index_cast %mul3A_11 : i32 to index
      %get3A_84 = tpu.vector_load %arg6[%get3A_82, %get3A_83] {strides = array<i32>} : memref<16x1024xf32, #tpu.memory_space<vmem>>, vector<16xf32>,
      %gt3A_85 = arith.cmpf ogt, %get3A_84, %select_n3A_80 : vector<16xf32>
      %gt3A_86 = arith.cmpf ogt, %get3A_84, %select_n3A_76 : vector<16xf32>
      %jit3A_87 = arith.constant 5.000000e+00 : f32
      %broadcast_in_dim3A_88 = vector.broadcast %jit3A_87 : f32 to vector<16xf32>
      %select_n3A_89 = arith.select %gt3A_86, %broadcast_in_dim3A_88, %select_n3A_74 : vector<16xi1>, vector<16xf32>
      %select_n3A_90 = arith.select %gt3A_85, %select_n3A_79, %select_n3A_89 : vector<16xi1>, vector<16xf32>
      %select_n3A_91 = arith.select %gt3A_86, %get3A_84, %select_n3A_76 : vector<16xi1>, vector<16xf32>
      %select_n3A_92 = arith.select %gt3A_85, %select_n3A_80, %select_n3A_91 : vector<16xi1>, vector<16xf32>
      %jit3A_93 = arith.constant 5.000000e+00 : f32
      %broadcast_in_dim3A_94 = vector.broadcast %jit3A_93 : f32 to vector<16xf32>
      %select_n3A_95 = arith.select %gt3A_85, %broadcast_in_dim3A_94, %select_n3A_79 : vector<16xi1>, vector<16xf32>
      %select_n3A_96 = arith.select %gt3A_85, %get3A_84, %select_n3A_80 : vector<16xi1>, vector<16xf32>
      %get3A_97 = arith.constant 6 : i32
      %get3A_98 = arith.index_cast %get3A_97 : i32 to index
      %get3A_99 = arith.index_cast %mul3A_11 : i32 to index
      %get3A_100 = tpu.vector_load %arg6[%get3A_98, %get3A_99] {strides = array<i32>} : memref<16x1024xf32, #tpu.memory_space<vmem>>, vector<16xf32>,
      %gt3A_101 = arith.cmpf ogt, %get3A_100, %select_n3A_96 : vector<16xf32>
      %gt3A_102 = arith.cmpf ogt, %get3A_100, %select_n3A_92 : vector<16xf32>
      %jit3A_103 = arith.constant 6.000000e+00 : f32
      %broadcast_in_dim3A_104 = vector.broadcast %jit3A_103 : f32 to vector<16xf32>
      %select_n3A_105 = arith.select %gt3A_102, %broadcast_in_dim3A_104, %select_n3A_90 : vector<16xi1>, vector<16xf32>
      %select_n3A_106 = arith.select %gt3A_101, %select_n3A_95, %select_n3A_105 : vector<16xi1>, vector<16xf32>
      %select_n3A_107 = arith.select %gt3A_102, %get3A_100, %select_n3A_92 : vector<16xi1>, vector<16xf32>
      %select_n3A_108 = arith.select %gt3A_101, %select_n3A_96, %select_n3A_107 : vector<16xi1>, vector<16xf32>
      %jit3A_109 = arith.constant 6.000000e+00 : f32
      %broadcast_in_dim3A_110 = vector.broadcast %jit3A_109 : f32 to vector<16xf32>
      %select_n3A_111 = arith.select %gt3A_101, %broadcast_in_dim3A_110, %select_n3A_95 : vector<16xi1>, vector<16xf32>
      %select_n3A_112 = arith.select %gt3A_101, %get3A_100, %select_n3A_96 : vector<16xi1>, vector<16xf32>
      %get3A_113 = arith.constant 7 : i32
      %get3A_114 = arith.index_cast %get3A_113 : i32 to index
      %get3A_115 = arith.index_cast %mul3A_11 : i32 to index
      %get3A_116 = tpu.vector_load %arg6[%get3A_114, %get3A_115] {strides = array<i32>} : memref<16x1024xf32, #tpu.memory_space<vmem>>, vector<16xf32>,
      %gt3A_117 = arith.cmpf ogt, %get3A_116, %select_n3A_112 : vector<16xf32>
      %gt3A_118 = arith.cmpf ogt, %get3A_116, %select_n3A_108 : vector<16xf32>
      %jit3A_119 = arith.constant 7.000000e+00 : f32
      %broadcast_in_dim3A_120 = vector.broadcast %jit3A_119 : f32 to vector<16xf32>
      %select_n3A_121 = arith.select %gt3A_118, %broadcast_in_dim3A_120, %select_n3A_106 : vector<16xi1>, vector<16xf32>
      %select_n3A_122 = arith.select %gt3A_117, %select_n3A_111, %select_n3A_121 : vector<16xi1>, vector<16xf32>
      %select_n3A_123 = arith.select %gt3A_118, %get3A_116, %select_n3A_108 : vector<16xi1>, vector<16xf32>
      %select_n3A_124 = arith.select %gt3A_117, %select_n3A_112, %select_n3A_123 : vector<16xi1>, vector<16xf32>
      %jit3A_125 = arith.constant 7.000000e+00 : f32
      %broadcast_in_dim3A_126 = vector.broadcast %jit3A_125 : f32 to vector<16xf32>
      %select_n3A_127 = arith.select %gt3A_117, %broadcast_in_dim3A_126, %select_n3A_111 : vector<16xi1>, vector<16xf32>
      %select_n3A_128 = arith.select %gt3A_117, %get3A_116, %select_n3A_112 : vector<16xi1>, vector<16xf32>
      %get3A_129 = arith.constant 8 : i32
      %get3A_130 = arith.index_cast %get3A_129 : i32 to index
      %get3A_131 = arith.index_cast %mul3A_11 : i32 to index
      %get3A_132 = tpu.vector_load %arg6[%get3A_130, %get3A_131] {strides = array<i32>} : memref<16x1024xf32, #tpu.memory_space<vmem>>, vector<16xf32>,
      %gt3A_133 = arith.cmpf ogt, %get3A_132, %select_n3A_128 : vector<16xf32>
      %gt3A_134 = arith.cmpf ogt, %get3A_132, %select_n3A_124 : vector<16xf32>
      %jit3A_135 = arith.constant 8.000000e+00 : f32
      %broadcast_in_dim3A_136 = vector.broadcast %jit3A_135 : f32 to vector<16xf32>
      %select_n3A_137 = arith.select %gt3A_134, %broadcast_in_dim3A_136, %select_n3A_122 : vector<16xi1>, vector<16xf32>
      %select_n3A_138 = arith.select %gt3A_133, %select_n3A_127, %select_n3A_137 : vector<16xi1>, vector<16xf32>
      %select_n3A_139 = arith.select %gt3A_134, %get3A_132, %select_n3A_124 : vector<16xi1>, vector<16xf32>
      %select_n3A_140 = arith.select %gt3A_133, %select_n3A_128, %select_n3A_139 : vector<16xi1>, vector<16xf32>
      %jit3A_141 = arith.constant 8.000000e+00 : f32
      %broadcast_in_dim3A_142 = vector.broadcast %jit3A_141 : f32 to vector<16xf32>
      %select_n3A_143 = arith.select %gt3A_133, %broadcast_in_dim3A_142, %select_n3A_127 : vector<16xi1>, vector<16xf32>
      %select_n3A_144 = arith.select %gt3A_133, %get3A_132, %select_n3A_128 : vector<16xi1>, vector<16xf32>
      %get3A_145 = arith.constant 9 : i32
      %get3A_146 = arith.index_cast %get3A_145 : i32 to index
      %get3A_147 = arith.index_cast %mul3A_11 : i32 to index
      %get3A_148 = tpu.vector_load %arg6[%get3A_146, %get3A_147] {strides = array<i32>} : memref<16x1024xf32, #tpu.memory_space<vmem>>, vector<16xf32>,
      %gt3A_149 = arith.cmpf ogt, %get3A_148, %select_n3A_144 : vector<16xf32>
      %gt3A_150 = arith.cmpf ogt, %get3A_148, %select_n3A_140 : vector<16xf32>
      %jit3A_151 = arith.constant 9.000000e+00 : f32
      %broadcast_in_dim3A_152 = vector.broadcast %jit3A_151 : f32 to vector<16xf32>
      %select_n3A_153 = arith.select %gt3A_150, %broadcast_in_dim3A_152, %select_n3A_138 : vector<16xi1>, vector<16xf32>
      %select_n3A_154 = arith.select %gt3A_149, %select_n3A_143, %select_n3A_153 : vector<16xi1>, vector<16xf32>
      %select_n3A_155 = arith.select %gt3A_150, %get3A_148, %select_n3A_140 : vector<16xi1>, vector<16xf32>
      %select_n3A_156 = arith.select %gt3A_149, %select_n3A_144, %select_n3A_155 : vector<16xi1>, vector<16xf32>
      %jit3A_157 = arith.constant 9.000000e+00 : f32
      %broadcast_in_dim3A_158 = vector.broadcast %jit3A_157 : f32 to vector<16xf32>
      %select_n3A_159 = arith.select %gt3A_149, %broadcast_in_dim3A_158, %select_n3A_143 : vector<16xi1>, vector<16xf32>
      %select_n3A_160 = arith.select %gt3A_149, %get3A_148, %select_n3A_144 : vector<16xi1>, vector<16xf32>
      %get3A_161 = arith.constant 10 : i32
      %get3A_162 = arith.index_cast %get3A_161 : i32 to index
      %get3A_163 = arith.index_cast %mul3A_11 : i32 to index
      %get3A_164 = tpu.vector_load %arg6[%get3A_162, %get3A_163] {strides = array<i32>} : memref<16x1024xf32, #tpu.memory_space<vmem>>, vector<16xf32>,
      %gt3A_165 = arith.cmpf ogt, %get3A_164, %select_n3A_160 : vector<16xf32>
      %gt3A_166 = arith.cmpf ogt, %get3A_164, %select_n3A_156 : vector<16xf32>
      %jit3A_167 = arith.constant 1.000000e+01 : f32
      %broadcast_in_dim3A_168 = vector.broadcast %jit3A_167 : f32 to vector<16xf32>
      %select_n3A_169 = arith.select %gt3A_166, %broadcast_in_dim3A_168, %select_n3A_154 : vector<16xi1>, vector<16xf32>
      %select_n3A_170 = arith.select %gt3A_165, %select_n3A_159, %select_n3A_169 : vector<16xi1>, vector<16xf32>
      %select_n3A_171 = arith.select %gt3A_166, %get3A_164, %select_n3A_156 : vector<16xi1>, vector<16xf32>
      %select_n3A_172 = arith.select %gt3A_165, %select_n3A_160, %select_n3A_171 : vector<16xi1>, vector<16xf32>
      %jit3A_173 = arith.constant 1.000000e+01 : f32
      %broadcast_in_dim3A_174 = vector.broadcast %jit3A_173 : f32 to vector<16xf32>
      %select_n3A_175 = arith.select %gt3A_165, %broadcast_in_dim3A_174, %select_n3A_159 : vector<16xi1>, vector<16xf32>
      %select_n3A_176 = arith.select %gt3A_165, %get3A_164, %select_n3A_160 : vector<16xi1>, vector<16xf32>
      %get3A_177 = arith.constant 11 : i32
      %get3A_178 = arith.index_cast %get3A_177 : i32 to index
      %get3A_179 = arith.index_cast %mul3A_11 : i32 to index
      %get3A_180 = tpu.vector_load %arg6[%get3A_178, %get3A_179] {strides = array<i32>} : memref<16x1024xf32, #tpu.memory_space<vmem>>, vector<16xf32>,
      %gt3A_181 = arith.cmpf ogt, %get3A_180, %select_n3A_176 : vector<16xf32>
      %gt3A_182 = arith.cmpf ogt, %get3A_180, %select_n3A_172 : vector<16xf32>
      %jit3A_183 = arith.constant 1.100000e+01 : f32
      %broadcast_in_dim3A_184 = vector.broadcast %jit3A_183 : f32 to vector<16xf32>
      %select_n3A_185 = arith.select %gt3A_182, %broadcast_in_dim3A_184, %select_n3A_170 : vector<16xi1>, vector<16xf32>
      %select_n3A_186 = arith.select %gt3A_181, %select_n3A_175, %select_n3A_185 : vector<16xi1>, vector<16xf32>
      %select_n3A_187 = arith.select %gt3A_182, %get3A_180, %select_n3A_172 : vector<16xi1>, vector<16xf32>
      %select_n3A_188 = arith.select %gt3A_181, %select_n3A_176, %select_n3A_187 : vector<16xi1>, vector<16xf32>
      %jit3A_189 = arith.constant 1.100000e+01 : f32
      %broadcast_in_dim3A_190 = vector.broadcast %jit3A_189 : f32 to vector<16xf32>
      %select_n3A_191 = arith.select %gt3A_181, %broadcast_in_dim3A_190, %select_n3A_175 : vector<16xi1>, vector<16xf32>
      %select_n3A_192 = arith.select %gt3A_181, %get3A_180, %select_n3A_176 : vector<16xi1>, vector<16xf32>
      %get3A_193 = arith.constant 12 : i32
      %get3A_194 = arith.index_cast %get3A_193 : i32 to index
      %get3A_195 = arith.index_cast %mul3A_11 : i32 to index
      %get3A_196 = tpu.vector_load %arg6[%get3A_194, %get3A_195] {strides = array<i32>} : memref<16x1024xf32, #tpu.memory_space<vmem>>, vector<16xf32>,
      %gt3A_197 = arith.cmpf ogt, %get3A_196, %select_n3A_192 : vector<16xf32>
      %gt3A_198 = arith.cmpf ogt, %get3A_196, %select_n3A_188 : vector<16xf32>
      %jit3A_199 = arith.constant 1.200000e+01 : f32
      %broadcast_in_dim3A_200 = vector.broadcast %jit3A_199 : f32 to vector<16xf32>
      %select_n3A_201 = arith.select %gt3A_198, %broadcast_in_dim3A_200, %select_n3A_186 : vector<16xi1>, vector<16xf32>
      %select_n3A_202 = arith.select %gt3A_197, %select_n3A_191, %select_n3A_201 : vector<16xi1>, vector<16xf32>
      %select_n3A_203 = arith.select %gt3A_198, %get3A_196, %select_n3A_188 : vector<16xi1>, vector<16xf32>
      %select_n3A_204 = arith.select %gt3A_197, %select_n3A_192, %select_n3A_203 : vector<16xi1>, vector<16xf32>
      %jit3A_205 = arith.constant 1.200000e+01 : f32
      %broadcast_in_dim3A_206 = vector.broadcast %jit3A_205 : f32 to vector<16xf32>
      %select_n3A_207 = arith.select %gt3A_197, %broadcast_in_dim3A_206, %select_n3A_191 : vector<16xi1>, vector<16xf32>
      %select_n3A_208 = arith.select %gt3A_197, %get3A_196, %select_n3A_192 : vector<16xi1>, vector<16xf32>
      %get3A_209 = arith.constant 13 : i32
      %get3A_210 = arith.index_cast %get3A_209 : i32 to index
      %get3A_211 = arith.index_cast %mul3A_11 : i32 to index
      %get3A_212 = tpu.vector_load %arg6[%get3A_210, %get3A_211] {strides = array<i32>} : memref<16x1024xf32, #tpu.memory_space<vmem>>, vector<16xf32>,
      %gt3A_213 = arith.cmpf ogt, %get3A_212, %select_n3A_208 : vector<16xf32>
      %gt3A_214 = arith.cmpf ogt, %get3A_212, %select_n3A_204 : vector<16xf32>
      %jit3A_215 = arith.constant 1.300000e+01 : f32
      %broadcast_in_dim3A_216 = vector.broadcast %jit3A_215 : f32 to vector<16xf32>
      %select_n3A_217 = arith.select %gt3A_214, %broadcast_in_dim3A_216, %select_n3A_202 : vector<16xi1>, vector<16xf32>
      %select_n3A_218 = arith.select %gt3A_213, %select_n3A_207, %select_n3A_217 : vector<16xi1>, vector<16xf32>
      %select_n3A_219 = arith.select %gt3A_214, %get3A_212, %select_n3A_204 : vector<16xi1>, vector<16xf32>
      %select_n3A_220 = arith.select %gt3A_213, %select_n3A_208, %select_n3A_219 : vector<16xi1>, vector<16xf32>
      %jit3A_221 = arith.constant 1.300000e+01 : f32
      %broadcast_in_dim3A_222 = vector.broadcast %jit3A_221 : f32 to vector<16xf32>
      %select_n3A_223 = arith.select %gt3A_213, %broadcast_in_dim3A_222, %select_n3A_207 : vector<16xi1>, vector<16xf32>
      %select_n3A_224 = arith.select %gt3A_213, %get3A_212, %select_n3A_208 : vector<16xi1>, vector<16xf32>
      %get3A_225 = arith.constant 14 : i32
      %get3A_226 = arith.index_cast %get3A_225 : i32 to index
      %get3A_227 = arith.index_cast %mul3A_11 : i32 to index
      %get3A_228 = tpu.vector_load %arg6[%get3A_226, %get3A_227] {strides = array<i32>} : memref<16x1024xf32, #tpu.memory_space<vmem>>, vector<16xf32>,
      %gt3A_229 = arith.cmpf ogt, %get3A_228, %select_n3A_224 : vector<16xf32>
      %gt3A_230 = arith.cmpf ogt, %get3A_228, %select_n3A_220 : vector<16xf32>
      %jit3A_231 = arith.constant 1.400000e+01 : f32
      %broadcast_in_dim3A_232 = vector.broadcast %jit3A_231 : f32 to vector<16xf32>
      %select_n3A_233 = arith.select %gt3A_230, %broadcast_in_dim3A_232, %select_n3A_218 : vector<16xi1>, vector<16xf32>
      %select_n3A_234 = arith.select %gt3A_229, %select_n3A_223, %select_n3A_233 : vector<16xi1>, vector<16xf32>
      %select_n3A_235 = arith.select %gt3A_230, %get3A_228, %select_n3A_220 : vector<16xi1>, vector<16xf32>
      %select_n3A_236 = arith.select %gt3A_229, %select_n3A_224, %select_n3A_235 : vector<16xi1>, vector<16xf32>
      %jit3A_237 = arith.constant 1.400000e+01 : f32
      %broadcast_in_dim3A_238 = vector.broadcast %jit3A_237 : f32 to vector<16xf32>
      %select_n3A_239 = arith.select %gt3A_229, %broadcast_in_dim3A_238, %select_n3A_223 : vector<16xi1>, vector<16xf32>
      %select_n3A_240 = arith.select %gt3A_229, %get3A_228, %select_n3A_224 : vector<16xi1>, vector<16xf32>
      %get3A_241 = arith.constant 15 : i32
      %get3A_242 = arith.index_cast %get3A_241 : i32 to index
      %get3A_243 = arith.index_cast %mul3A_11 : i32 to index
      %get3A_244 = tpu.vector_load %arg6[%get3A_242, %get3A_243] {strides = array<i32>} : memref<16x1024xf32, #tpu.memory_space<vmem>>, vector<16xf32>,
      %gt3A_245 = arith.cmpf ogt, %get3A_244, %select_n3A_240 : vector<16xf32>
      %gt3A_246 = arith.cmpf ogt, %get3A_244, %select_n3A_236 : vector<16xf32>
      %jit3A_247 = arith.constant 1.500000e+01 : f32
      %broadcast_in_dim3A_248 = vector.broadcast %jit3A_247 : f32 to vector<16xf32>
      %select_n3A_249 = arith.select %gt3A_246, %broadcast_in_dim3A_248, %select_n3A_234 : vector<16xi1>, vector<16xf32>
      %select_n3A_250 = arith.select %gt3A_245, %select_n3A_239, %select_n3A_249 : vector<16xi1>, vector<16xf32>
      %select_n3A_251 = arith.select %gt3A_246, %get3A_244, %select_n3A_236 : vector<16xi1>, vector<16xf32>
      %select_n3A_252 = arith.select %gt3A_245, %select_n3A_240, %select_n3A_251 : vector<16xi1>, vector<16xf32>
      %jit3A_253 = arith.constant 1.500000e+01 : f32
      %broadcast_in_dim3A_254 = vector.broadcast %jit3A_253 : f32 to vector<16xf32>
      %select_n3A_255 = arith.select %gt3A_245, %broadcast_in_dim3A_254, %select_n3A_239 : vector<16xi1>, vector<16xf32>
      %select_n3A_256 = arith.select %gt3A_245, %get3A_244, %select_n3A_240 : vector<16xi1>, vector<16xf32>
      %sub3A = arith.subf %select_n3A_252, %select_n3A_256 : vector<16xf32>
      %exp3A = math.exp %sub3A : vector<16xf32>
      %add3A_257 = arith.constant 1.000000e+00 : f32
      %add3A_258 = vector.broadcast %add3A_257 : f32 to vector<16xf32>
      %add3A_259 = arith.addf %add3A_258, %exp3A : vector<16xf32>
      %div3A = arith.constant 1.000000e+00 : f32
      %div3A_260 = vector.broadcast %div3A : f32 to vector<16xf32>
      %div3A_261 = arith.divf %div3A_260, %add3A_259 : vector<16xf32>
      %div3A_262 = arith.divf %exp3A, %add3A_259 : vector<16xf32>
      %iota3A = tpu.iota {dimensions = array<i32: 0>} : vector<16xi32>
      %add3A_263 = vector.broadcast %mul3A_11 : i32 to vector<16xi32>
      %add3A_264 = arith.addi %add3A_263, %iota3A : vector<16xi32>
      %convert_element_type3A = arith.fptosi %select_n3A_255 : vector<16xf32> to vector<16xi32>
      %gather3A = tpu.vector_load_idx %arg7[%convert_element_type3A, %add3A_264] : memref<16x1024xf32, #tpu.memory_space<vmem>>[vector<16xi32>, vector<16xi32>], vector<16xf32>,
      %convert_element_type3A_265 = arith.fptosi %select_n3A_250 : vector<16xf32> to vector<16xi32>
      %gather3A_266 = tpu.vector_load_idx %arg7[%convert_element_type3A_265, %add3A_264] : memref<16x1024xf32, #tpu.memory_space<vmem>>[vector<16xi32>, vector<16xi32>], vector<16xf32>,
      %mul3A_267 = arith.mulf %div3A_261, %gather3A : vector<16xf32>
      %mul3A_268 = arith.mulf %div3A_262, %gather3A_266 : vector<16xf32>
      %add3A_269 = arith.addf %mul3A_267, %mul3A_268 : vector<16xf32>
      %swap3A = arith.index_cast %mul3A_11 : i32 to index
      %swap3A_270 = tpu.vector_load %arg8[%swap3A] {strides = array<i32>} : memref<1024xf32, #tpu.memory_space<vmem>>, vector<16xf32>,
      tpu.vector_store %arg8[%swap3A], %add3A_269 {strides = array<i32>} : memref<1024xf32, #tpu.memory_space<vmem>>, vector<16xf32>,
      %swap3A_271 = arith.index_cast %mul3A_11 : i32 to index
      %swap3A_272 = tpu.vector_load %arg9[%swap3A_271] {strides = array<i32>} : memref<1024xf32, #tpu.memory_space<vmem>>, vector<16xf32>,
      tpu.vector_store %arg9[%swap3A_271], %div3A_261 {strides = array<i32>} : memref<1024xf32, #tpu.memory_space<vmem>>, vector<16xf32>,
      %swap3A_273 = arith.index_cast %mul3A_11 : i32 to index
      %swap3A_274 = tpu.vector_load %arg10[%swap3A_273] {strides = array<i32>} : memref<1024xf32, #tpu.memory_space<vmem>>, vector<16xf32>,
      tpu.vector_store %arg10[%swap3A_273], %div3A_262 {strides = array<i32>} : memref<1024xf32, #tpu.memory_space<vmem>>, vector<16xf32>,
    }
    %scan3A_7 = arith.constant 64 : i32
    "tpu.region"() ({
      %run_scoped3A_9 = tpu.sem_alloc : memref<!tpu.dma_semaphore, #tpu.memory_space<semaphore_mem>>
      %dma_start3A = tpu.memref_slice %arg4[%mul3A_2] : memref<32768xf32, #tpu.memory_space<hbm>> -> memref<1024xf32, #tpu.memory_space<hbm>>
      %dma_start3A_10 = tpu.memref_slice %arg4[%mul3A_2] : memref<32768xf32, #tpu.memory_space<hbm>> -> memref<1024xf32, #tpu.memory_space<hbm>>
      tpu.enqueue_dma source(%arg8 : memref<1024xf32, #tpu.memory_space<vmem>>) target(%dma_start3A_10 : memref<1024xf32, #tpu.memory_space<hbm>>) target_semaphore(%run_scoped3A_9 : memref<!tpu.dma_semaphore, #tpu.memory_space<semaphore_mem>>)
      %dma_wait3A = tpu.memref_slice %arg4[%mul3A_2] : memref<32768xf32, #tpu.memory_space<hbm>> -> memref<1024xf32, #tpu.memory_space<hbm>>
      %dma_wait3A_11 = tpu.memref_slice %arg4[%mul3A_2] : memref<32768xf32, #tpu.memory_space<hbm>> -> memref<1024xf32, #tpu.memory_space<hbm>>
      tpu.wait_dma2 semaphore(%run_scoped3A_9 : memref<!tpu.dma_semaphore, #tpu.memory_space<semaphore_mem>>) src(%arg8 : memref<1024xf32, #tpu.memory_space<vmem>>) dst(%dma_wait3A_11 : memref<1024xf32, #tpu.memory_space<hbm>>)
      tpu.yield
    }) : () -> ()
    %run_scoped3A = arith.constant 0 : i32
    "tpu.region"() ({
      %run_scoped3A_9 = tpu.sem_alloc : memref<!tpu.dma_semaphore, #tpu.memory_space<semaphore_mem>>
      %dma_start3A = tpu.memref_slice %arg5[%run_scoped3A, %mul3A_2] : memref<2x32768xf32, #tpu.memory_space<hbm>> -> memref<1x1024xf32, #tpu.memory_space<hbm>>
      %dma_start3A_10 = tpu.memref_squeeze %dma_start3A : memref<1x1024xf32, #tpu.memory_space<hbm>> -> memref<1024xf32, #tpu.memory_space<hbm>>
      %dma_start3A_11 = tpu.memref_slice %arg5[%run_scoped3A, %mul3A_2] : memref<2x32768xf32, #tpu.memory_space<hbm>> -> memref<1x1024xf32, #tpu.memory_space<hbm>>
      %dma_start3A_12 = tpu.memref_squeeze %dma_start3A_11 : memref<1x1024xf32, #tpu.memory_space<hbm>> -> memref<1024xf32, #tpu.memory_space<hbm>>
      tpu.enqueue_dma source(%arg9 : memref<1024xf32, #tpu.memory_space<vmem>>) target(%dma_start3A_12 : memref<1024xf32, #tpu.memory_space<hbm>>) target_semaphore(%run_scoped3A_9 : memref<!tpu.dma_semaphore, #tpu.memory_space<semaphore_mem>>)
      %dma_wait3A = tpu.memref_slice %arg5[%run_scoped3A, %mul3A_2] : memref<2x32768xf32, #tpu.memory_space<hbm>> -> memref<1x1024xf32, #tpu.memory_space<hbm>>
      %dma_wait3A_13 = tpu.memref_squeeze %dma_wait3A : memref<1x1024xf32, #tpu.memory_space<hbm>> -> memref<1024xf32, #tpu.memory_space<hbm>>
      %dma_wait3A_14 = tpu.memref_slice %arg5[%run_scoped3A, %mul3A_2] : memref<2x32768xf32, #tpu.memory_space<hbm>> -> memref<1x1024xf32, #tpu.memory_space<hbm>>
      %dma_wait3A_15 = tpu.memref_squeeze %dma_wait3A_14 : memref<1x1024xf32, #tpu.memory_space<hbm>> -> memref<1024xf32, #tpu.memory_space<hbm>>
      tpu.wait_dma2 semaphore(%run_scoped3A_9 : memref<!tpu.dma_semaphore, #tpu.memory_space<semaphore_mem>>) src(%arg9 : memref<1024xf32, #tpu.memory_space<vmem>>) dst(%dma_wait3A_15 : memref<1024xf32, #tpu.memory_space<hbm>>)
      tpu.yield
    }) : () -> ()
    %run_scoped3A_8 = arith.constant 1 : i32
    "tpu.region"() ({
      %run_scoped3A_9 = tpu.sem_alloc : memref<!tpu.dma_semaphore, #tpu.memory_space<semaphore_mem>>
      %dma_start3A = tpu.memref_slice %arg5[%run_scoped3A_8, %mul3A_2] : memref<2x32768xf32, #tpu.memory_space<hbm>> -> memref<1x1024xf32, #tpu.memory_space<hbm>>
      %dma_start3A_10 = tpu.memref_squeeze %dma_start3A : memref<1x1024xf32, #tpu.memory_space<hbm>> -> memref<1024xf32, #tpu.memory_space<hbm>>
      %dma_start3A_11 = tpu.memref_slice %arg5[%run_scoped3A_8, %mul3A_2] : memref<2x32768xf32, #tpu.memory_space<hbm>> -> memref<1x1024xf32, #tpu.memory_space<hbm>>
      %dma_start3A_12 = tpu.memref_squeeze %dma_start3A_11 : memref<1x1024xf32, #tpu.memory_space<hbm>> -> memref<1024xf32, #tpu.memory_space<hbm>>
      tpu.enqueue_dma source(%arg10 : memref<1024xf32, #tpu.memory_space<vmem>>) target(%dma_start3A_12 : memref<1024xf32, #tpu.memory_space<hbm>>) target_semaphore(%run_scoped3A_9 : memref<!tpu.dma_semaphore, #tpu.memory_space<semaphore_mem>>)
      %dma_wait3A = tpu.memref_slice %arg5[%run_scoped3A_8, %mul3A_2] : memref<2x32768xf32, #tpu.memory_space<hbm>> -> memref<1x1024xf32, #tpu.memory_space<hbm>>
      %dma_wait3A_13 = tpu.memref_squeeze %dma_wait3A : memref<1x1024xf32, #tpu.memory_space<hbm>> -> memref<1024xf32, #tpu.memory_space<hbm>>
      %dma_wait3A_14 = tpu.memref_slice %arg5[%run_scoped3A_8, %mul3A_2] : memref<2x32768xf32, #tpu.memory_space<hbm>> -> memref<1x1024xf32, #tpu.memory_space<hbm>>
      %dma_wait3A_15 = tpu.memref_squeeze %dma_wait3A_14 : memref<1x1024xf32, #tpu.memory_space<hbm>> -> memref<1024xf32, #tpu.memory_space<hbm>>
      tpu.wait_dma2 semaphore(%run_scoped3A_9 : memref<!tpu.dma_semaphore, #tpu.memory_space<semaphore_mem>>) src(%arg10 : memref<1024xf32, #tpu.memory_space<vmem>>) dst(%dma_wait3A_15 : memref<1024xf32, #tpu.memory_space<hbm>>)
      tpu.yield
    }) : () -> ()
    return
  }
}

module attributes {stable_mosaic.version = 14 : i64} {
  func.func @_tc_body(%arg0: i32, %arg1: memref<4096x768xf32, #tpu.memory_space<vmem>>, %arg2: memref<64x768xf32, #tpu.memory_space<vmem>>, %arg3: memref<64xf32, #tpu.memory_space<vmem>>, %arg4: memref<64x128xf32, #tpu.memory_space<vmem>>, %arg5: memref<128xf32, #tpu.memory_space<vmem>>, %arg6: memref<32x128xf32, #tpu.memory_space<vmem>>, %arg7: memref<32xf32, #tpu.memory_space<vmem>>, %arg8: memref<16x32xf32, #tpu.memory_space<vmem>>, %arg9: memref<16xf32, #tpu.memory_space<vmem>>, %arg10: memref<16x768xf32, #tpu.memory_space<vmem>>, %arg11: memref<16xf32, #tpu.memory_space<vmem>>, %arg12: memref<16x4096xf32, #tpu.memory_space<vmem>>, %arg13: memref<16x4096xf32, #tpu.memory_space<vmem>>, %arg14: memref<768x64xf32, #tpu.memory_space<vmem>>, %arg15: memref<128x32xf32, #tpu.memory_space<vmem>>, %arg16: memref<32x16xf32, #tpu.memory_space<vmem>>, %arg17: memref<768x16xbf16, #tpu.memory_space<vmem>>) attributes {dimension_semantics = [#tpu.dimension_semantics<arbitrary>], iteration_bounds = array<i64: 8>, scalar_prefetch = 0 : i64, scratch_operands = 4 : i64, tpu.core_type = #tpu.core_type<tc>, window_params = [{transform_indices = @transform_0, window_bounds = array<i64: 4096, 768>}, {pipeline_mode = #tpu.pipeline_mode<synchronous>, transform_indices = @transform_1, window_bounds = array<i64: 64, 768>}, {pipeline_mode = #tpu.pipeline_mode<synchronous>, transform_indices = @transform_2, window_bounds = array<i64: 64>}, {pipeline_mode = #tpu.pipeline_mode<synchronous>, transform_indices = @transform_3, window_bounds = array<i64: 64, 128>}, {pipeline_mode = #tpu.pipeline_mode<synchronous>, transform_indices = @transform_4, window_bounds = array<i64: 128>}, {pipeline_mode = #tpu.pipeline_mode<synchronous>, transform_indices = @transform_5, window_bounds = array<i64: 32, 128>}, {pipeline_mode = #tpu.pipeline_mode<synchronous>, transform_indices = @transform_6, window_bounds = array<i64: 32>}, {pipeline_mode = #tpu.pipeline_mode<synchronous>, transform_indices = @transform_7, window_bounds = array<i64: 16, 32>}, {pipeline_mode = #tpu.pipeline_mode<synchronous>, transform_indices = @transform_8, window_bounds = array<i64: 16>}, {pipeline_mode = #tpu.pipeline_mode<synchronous>, transform_indices = @transform_9, window_bounds = array<i64: 16, 768>}, {pipeline_mode = #tpu.pipeline_mode<synchronous>, transform_indices = @transform_10, window_bounds = array<i64: 16>}, {transform_indices = @transform_11, window_bounds = array<i64: 16, 4096>}, {transform_indices = @transform_12, window_bounds = array<i64: 16, 4096>}]} {
    %eq3A = arith.constant 0 : i32
    %eq3A_0 = arith.cmpi eq, %arg0, %eq3A : i32
    %convert_element_type3A = arith.extui %eq3A_0 : i1 to i32
    %cond3A = arith.constant 0 : i32
    %cond3A_1 = arith.cmpi ne, %convert_element_type3A, %cond3A : i32
    scf.if %cond3A_1 {
      %get3A_66 = arith.constant 0 : index
      %get3A_67 = arith.constant 0 : index
      %get3A_68 = vector.load %arg2[%get3A_66, %get3A_67] : memref<64x768xf32, #tpu.memory_space<vmem>>, vector<64x768xf32>
      %transpose3A_69 = tpu.transpose %get3A_68, [1, 0] : vector<64x768xf32> -> vector<768x64xf32>
      %swap3A_70 = arith.constant 0 : index
      %swap3A_71 = arith.constant 0 : index
      %swap3A_72 = vector.load %arg14[%swap3A_70, %swap3A_71] : memref<768x64xf32, #tpu.memory_space<vmem>>, vector<768x64xf32>
      tpu.vector_store %arg14[%swap3A_70, %swap3A_71], %transpose3A_69 {strides = array<i32>} : memref<768x64xf32, #tpu.memory_space<vmem>>, vector<768x64xf32>,
      %get3A_73 = arith.constant 0 : index
      %get3A_74 = arith.constant 0 : index
      %get3A_75 = vector.load %arg6[%get3A_73, %get3A_74] : memref<32x128xf32, #tpu.memory_space<vmem>>, vector<32x128xf32>
      %transpose3A_76 = tpu.transpose %get3A_75, [1, 0] : vector<32x128xf32> -> vector<128x32xf32>
      %swap3A_77 = arith.constant 0 : index
      %swap3A_78 = arith.constant 0 : index
      %swap3A_79 = vector.load %arg15[%swap3A_77, %swap3A_78] : memref<128x32xf32, #tpu.memory_space<vmem>>, vector<128x32xf32>
      tpu.vector_store %arg15[%swap3A_77, %swap3A_78], %transpose3A_76 {strides = array<i32>} : memref<128x32xf32, #tpu.memory_space<vmem>>, vector<128x32xf32>,
      %get3A_80 = arith.constant 0 : index
      %get3A_81 = arith.constant 0 : index
      %get3A_82 = vector.load %arg8[%get3A_80, %get3A_81] : memref<16x32xf32, #tpu.memory_space<vmem>>, vector<16x32xf32>
      %transpose3A_83 = tpu.transpose %get3A_82, [1, 0] : vector<16x32xf32> -> vector<32x16xf32>
      %swap3A_84 = arith.constant 0 : index
      %swap3A_85 = arith.constant 0 : index
      %swap3A_86 = vector.load %arg16[%swap3A_84, %swap3A_85] : memref<32x16xf32, #tpu.memory_space<vmem>>, vector<32x16xf32>
      tpu.vector_store %arg16[%swap3A_84, %swap3A_85], %transpose3A_83 {strides = array<i32>} : memref<32x16xf32, #tpu.memory_space<vmem>>, vector<32x16xf32>,
      %get3A_87 = arith.constant 0 : index
      %get3A_88 = arith.constant 0 : index
      %get3A_89 = vector.load %arg10[%get3A_87, %get3A_88] : memref<16x768xf32, #tpu.memory_space<vmem>>, vector<16x768xf32>
      %transpose3A_90 = tpu.transpose %get3A_89, [1, 0] : vector<16x768xf32> -> vector<768x16xf32>
      %convert_element_type3A_91 = arith.truncf %transpose3A_90 : vector<768x16xf32> to vector<768x16xbf16>
      %swap3A_92 = arith.constant 0 : index
      %swap3A_93 = arith.constant 0 : index
      %swap3A_94 = vector.load %arg17[%swap3A_92, %swap3A_93] : memref<768x16xbf16, #tpu.memory_space<vmem>>, vector<768x16xbf16>
      tpu.vector_store %arg17[%swap3A_92, %swap3A_93], %convert_element_type3A_91 {strides = array<i32>} : memref<768x16xbf16, #tpu.memory_space<vmem>>, vector<768x16xbf16>,
    } else {
    }
    %get3A = arith.constant 0 : index
    %get3A_2 = arith.constant 0 : index
    %get3A_3 = vector.load %arg1[%get3A, %get3A_2] : memref<4096x768xf32, #tpu.memory_space<vmem>>, vector<4096x768xf32>
    %convert_element_type3A_4 = arith.truncf %get3A_3 : vector<4096x768xf32> to vector<4096x768xbf16>
    %get3A_5 = arith.constant 0 : index
    %get3A_6 = arith.constant 0 : index
    %get3A_7 = vector.load %arg14[%get3A_5, %get3A_6] : memref<768x64xf32, #tpu.memory_space<vmem>>, vector<768x64xf32>
    %dot_general3A = arith.constant dense<0.000000e+00> : vector<4096x64xf32>
    %dot_general3A_8 = tpu.matmul %get3A_3, %get3A_7, %dot_general3A {dimension_numbers = #tpu.dot_dimension_numbers<[1], [0], [0], [1], [0, 0, 1, 1], [], []>, transpose_lhs_hint = false} : vector<4096x768xf32>, vector<768x64xf32>, vector<4096x64xf32> -> vector<4096x64xf32>
    %get3A_9 = arith.constant 0 : index
    %get3A_10 = vector.load %arg3[%get3A_9] : memref<64xf32, #tpu.memory_space<vmem>>, vector<64xf32>
    %reshape3A = vector.shape_cast %get3A_10 : vector<64xf32> to vector<1x64xf32>
    %add3A = vector.broadcast %reshape3A : vector<1x64xf32> to vector<4096x64xf32>
    %add3A_11 = arith.addf %dot_general3A_8, %add3A : vector<4096x64xf32>
    %max3A = arith.constant 0.000000e+00 : f32
    %max3A_12 = vector.broadcast %max3A : f32 to vector<4096x64xf32>
    %max3A_13 = arith.maximumf %add3A_11, %max3A_12 : vector<4096x64xf32>
    %get3A_14 = arith.constant 0 : index
    %get3A_15 = arith.constant 0 : index
    %get3A_16 = vector.load %arg4[%get3A_14, %get3A_15] : memref<64x128xf32, #tpu.memory_space<vmem>>, vector<64x128xf32>
    %dot_general3A_17 = arith.constant dense<0.000000e+00> : vector<4096x128xf32>
    %dot_general3A_18 = tpu.matmul %max3A_13, %get3A_16, %dot_general3A_17 {dimension_numbers = #tpu.dot_dimension_numbers<[1], [0], [0], [1], [0, 0, 1, 1], [], []>, transpose_lhs_hint = false} : vector<4096x64xf32>, vector<64x128xf32>, vector<4096x128xf32> -> vector<4096x128xf32>
    %get3A_19 = arith.constant 0 : index
    %get3A_20 = vector.load %arg5[%get3A_19] : memref<128xf32, #tpu.memory_space<vmem>>, vector<128xf32>
    %reshape3A_21 = vector.shape_cast %get3A_20 : vector<128xf32> to vector<1x128xf32>
    %add3A_22 = vector.broadcast %reshape3A_21 : vector<1x128xf32> to vector<4096x128xf32>
    %add3A_23 = arith.addf %dot_general3A_18, %add3A_22 : vector<4096x128xf32>
    %tanh3A = math.tanh %add3A_23 : vector<4096x128xf32>
    %get3A_24 = arith.constant 0 : index
    %get3A_25 = arith.constant 0 : index
    %get3A_26 = vector.load %arg15[%get3A_24, %get3A_25] : memref<128x32xf32, #tpu.memory_space<vmem>>, vector<128x32xf32>
    %dot_general3A_27 = arith.constant dense<0.000000e+00> : vector<4096x32xf32>
    %dot_general3A_28 = tpu.matmul %tanh3A, %get3A_26, %dot_general3A_27 {dimension_numbers = #tpu.dot_dimension_numbers<[1], [0], [0], [1], [0, 0, 1, 1], [], []>, transpose_lhs_hint = false} : vector<4096x128xf32>, vector<128x32xf32>, vector<4096x32xf32> -> vector<4096x32xf32>
    %get3A_29 = arith.constant 0 : index
    %get3A_30 = vector.load %arg7[%get3A_29] : memref<32xf32, #tpu.memory_space<vmem>>, vector<32xf32>
    %reshape3A_31 = vector.shape_cast %get3A_30 : vector<32xf32> to vector<1x32xf32>
    %add3A_32 = vector.broadcast %reshape3A_31 : vector<1x32xf32> to vector<4096x32xf32>
    %add3A_33 = arith.addf %dot_general3A_28, %add3A_32 : vector<4096x32xf32>
    %max3A_34 = arith.constant 0.000000e+00 : f32
    %max3A_35 = vector.broadcast %max3A_34 : f32 to vector<4096x32xf32>
    %max3A_36 = arith.maximumf %add3A_33, %max3A_35 : vector<4096x32xf32>
    %get3A_37 = arith.constant 0 : index
    %get3A_38 = arith.constant 0 : index
    %get3A_39 = vector.load %arg16[%get3A_37, %get3A_38] : memref<32x16xf32, #tpu.memory_space<vmem>>, vector<32x16xf32>
    %dot_general3A_40 = arith.constant dense<0.000000e+00> : vector<4096x16xf32>
    %dot_general3A_41 = tpu.matmul %max3A_36, %get3A_39, %dot_general3A_40 {dimension_numbers = #tpu.dot_dimension_numbers<[1], [0], [0], [1], [0, 0, 1, 1], [], []>, transpose_lhs_hint = false} : vector<4096x32xf32>, vector<32x16xf32>, vector<4096x16xf32> -> vector<4096x16xf32>
    %get3A_42 = arith.constant 0 : index
    %get3A_43 = vector.load %arg9[%get3A_42] : memref<16xf32, #tpu.memory_space<vmem>>, vector<16xf32>
    %reshape3A_44 = vector.shape_cast %get3A_43 : vector<16xf32> to vector<1x16xf32>
    %add3A_45 = vector.broadcast %reshape3A_44 : vector<1x16xf32> to vector<4096x16xf32>
    %add3A_46 = arith.addf %dot_general3A_41, %add3A_45 : vector<4096x16xf32>
    %add3A_47 = arith.constant 1.000000e-01 : f32
    %add3A_48 = vector.broadcast %add3A_47 : f32 to vector<4096x16xf32>
    %add3A_49 = arith.addf %add3A_46, %add3A_48 : vector<4096x16xf32>
    %get3A_50 = arith.constant 0 : index
    %get3A_51 = arith.constant 0 : index
    %get3A_52 = vector.load %arg17[%get3A_50, %get3A_51] : memref<768x16xbf16, #tpu.memory_space<vmem>>, vector<768x16xbf16>
    %dot_general3A_53 = arith.constant dense<0.000000e+00> : vector<4096x16xf32>
    %dot_general3A_54 = tpu.matmul %convert_element_type3A_4, %get3A_52, %dot_general3A_53 {dimension_numbers = #tpu.dot_dimension_numbers<[1], [0], [0], [1], [0, 0, 1, 1], [], []>, transpose_lhs_hint = false} : vector<4096x768xbf16>, vector<768x16xbf16>, vector<4096x16xf32> -> vector<4096x16xf32>
    %get3A_55 = arith.constant 0 : index
    %get3A_56 = vector.load %arg11[%get3A_55] : memref<16xf32, #tpu.memory_space<vmem>>, vector<16xf32>
    %reshape3A_57 = vector.shape_cast %get3A_56 : vector<16xf32> to vector<1x16xf32>
    %add3A_58 = vector.broadcast %reshape3A_57 : vector<1x16xf32> to vector<4096x16xf32>
    %add3A_59 = arith.addf %dot_general3A_54, %add3A_58 : vector<4096x16xf32>
    %transpose3A = tpu.transpose %add3A_49, [1, 0] : vector<4096x16xf32> -> vector<16x4096xf32>
    %swap3A = arith.constant 0 : index
    %swap3A_60 = arith.constant 0 : index
    %swap3A_61 = vector.load %arg12[%swap3A, %swap3A_60] : memref<16x4096xf32, #tpu.memory_space<vmem>>, vector<16x4096xf32>
    tpu.vector_store %arg12[%swap3A, %swap3A_60], %transpose3A {strides = array<i32>} : memref<16x4096xf32, #tpu.memory_space<vmem>>, vector<16x4096xf32>,
    %transpose3A_62 = tpu.transpose %add3A_59, [1, 0] : vector<4096x16xf32> -> vector<16x4096xf32>
    %swap3A_63 = arith.constant 0 : index
    %swap3A_64 = arith.constant 0 : index
    %swap3A_65 = vector.load %arg13[%swap3A_63, %swap3A_64] : memref<16x4096xf32, #tpu.memory_space<vmem>>, vector<16x4096xf32>
    tpu.vector_store %arg13[%swap3A_63, %swap3A_64], %transpose3A_62 {strides = array<i32>} : memref<16x4096xf32, #tpu.memory_space<vmem>>, vector<16x4096xf32>,
    return
  }
  func.func @transform_0(%arg0: i32) -> (i32, i32) {
    %c0_i32 = arith.constant 0 : i32
    %c0_i32_0 = arith.constant 0 : i32
    return %arg0, %c0_i32 : i32, i32
  }
  func.func @transform_1(%arg0: i32) -> (i32, i32) {
    %c0_i32 = arith.constant 0 : i32
    %c0_i32_0 = arith.constant 0 : i32
    %c0_i32_1 = arith.constant 0 : i32
    return %c0_i32, %c0_i32_0 : i32, i32
  }
  func.func @transform_2(%arg0: i32) -> i32 {
    %c0_i32 = arith.constant 0 : i32
    %c0_i32_0 = arith.constant 0 : i32
    return %c0_i32 : i32
  }
  func.func @transform_3(%arg0: i32) -> (i32, i32) {
    %c0_i32 = arith.constant 0 : i32
    %c0_i32_0 = arith.constant 0 : i32
    %c0_i32_1 = arith.constant 0 : i32
    return %c0_i32, %c0_i32_0 : i32, i32
  }
  func.func @transform_4(%arg0: i32) -> i32 {
    %c0_i32 = arith.constant 0 : i32
    %c0_i32_0 = arith.constant 0 : i32
    return %c0_i32 : i32
  }
  func.func @transform_5(%arg0: i32) -> (i32, i32) {
    %c0_i32 = arith.constant 0 : i32
    %c0_i32_0 = arith.constant 0 : i32
    %c0_i32_1 = arith.constant 0 : i32
    return %c0_i32, %c0_i32_0 : i32, i32
  }
  func.func @transform_6(%arg0: i32) -> i32 {
    %c0_i32 = arith.constant 0 : i32
    %c0_i32_0 = arith.constant 0 : i32
    return %c0_i32 : i32
  }
  func.func @transform_7(%arg0: i32) -> (i32, i32) {
    %c0_i32 = arith.constant 0 : i32
    %c0_i32_0 = arith.constant 0 : i32
    %c0_i32_1 = arith.constant 0 : i32
    return %c0_i32, %c0_i32_0 : i32, i32
  }
  func.func @transform_8(%arg0: i32) -> i32 {
    %c0_i32 = arith.constant 0 : i32
    %c0_i32_0 = arith.constant 0 : i32
    return %c0_i32 : i32
  }
  func.func @transform_9(%arg0: i32) -> (i32, i32) {
    %c0_i32 = arith.constant 0 : i32
    %c0_i32_0 = arith.constant 0 : i32
    %c0_i32_1 = arith.constant 0 : i32
    return %c0_i32, %c0_i32_0 : i32, i32
  }
  func.func @transform_10(%arg0: i32) -> i32 {
    %c0_i32 = arith.constant 0 : i32
    %c0_i32_0 = arith.constant 0 : i32
    return %c0_i32 : i32
  }
  func.func @transform_11(%arg0: i32) -> (i32, i32) {
    %c0_i32 = arith.constant 0 : i32
    %c0_i32_0 = arith.constant 0 : i32
    return %c0_i32, %arg0 : i32, i32
  }
  func.func @transform_12(%arg0: i32) -> (i32, i32) {
    %c0_i32 = arith.constant 0 : i32
    %c0_i32_0 = arith.constant 0 : i32
    return %c0_i32, %arg0 : i32, i32
  }
}

</mosaic_0001>

<sc_bundles>
// kernel: kernel.4.cloned.1.call-start
scs
__scs_entry_jumppad:
0x0: {  	(pc) =	sbr.rel $0x88, $3  }
0x1: {  	(tag) =	ssettag $0x0;
	lr =	simm.s32 $0x1  }
0x2: {  	[smem:$0x3F96] =	sst lr;
	_ =	strace $0xD0000000  }
0x3: {  	_ = 	snop  }
0x4: {  	_ = 	snop  }
0x5: {  	_ = 	snop  }
0x6: {  	_ = 	snop  }
0x7: {  	_ = 	snop  }
__scs_overlays_trampoline_lowered:
0x8: {  	[smem:$0x3FA5] =	sst s0  }
0x9: {  	[smem:$0x3FA6] =	sst s1  }
0xa: {  	[smem:$0x3FA7] =	sst s2  }
0xb: {  	[smem:$0x3FA8] =	sst s3  }
0xc: {  	[smem:$0x3FA9] =	sst s4  }
0xd: {  	[smem:$0x3FAA] =	sst s5  }
0xe: {  	[smem:$0x3FAB] =	sst s6  }
0xf: {  	[smem:$0x3FAC] =	sst s7  }
0x10: {  	[smem:$0x3FAD] =	sst s8  }
0x11: {  	[smem:$0x3FAE] =	sst s9;
	s0 =	simm.s32 @!p0 $0x0  }
0x12: {  	s1 =	sld [smem:$0x3F94];
	s0 =	simm.s32 @p0 $0x1  }
0x13: {  	[smem:$0x3FAF] =	sst s0;
	s0 =	simm.s32 @!p1 $0x0  }
0x14: {  	s2 =	sld [smem:$0x3F93];
	s0 =	simm.s32 @p1 $0x1  }
0x15: {  	[smem:$0x3FB0] =	sst s0;
	s0 =	simm.s32 @!p2 $0x0  }
0x16: {  	s3 =	sld [smem:$0x3FDB];
	s0 =	simm.s32 @p2 $0x1  }
0x17: {  	s4 =	simm.s32 $0x1BF5;
	[smem:$0x3FB2] =	sst s0  }
0x18: {  	s0 =	sld [smem:$0x3F95];
	_ =	swait.ge [sflag:s4], $0x0  }
0x19: {  	s7 =	sld [smem:$0x3F96]  }
0x1a: {  	s8 =	sadd.s32 $0xFFFFE003, lr  }
0x1b: {  	s9 =	sadd.s32 $0xFFFFFEF7, lr;
	s5 =	simm.s32 $0xFFFFFFFF;
	p2 =	slt.u32 s8, $0xFFFFF086  }
0x1c: {  	p1 =	slt.u32 s9, $0xF7A;
	s5 =	simm.s32 @!p2 $0x0  }
0x1d: {  	s5 =	simm.s32 @p1 $0x1;
	p0 =	seq.s32 s7, s2  }
0x1e: {  	s7 =	smul.u32 @!p0 $0xF7A, s2;
	p2 =	seq.s32 @!p0 s5, $0x0  }
0x1f: {  	s9 =	smul.u32 $0xF7A, s1;
	s8 =	simm.s32 @!p0 $0x1BF5;
	p2 =	por !p2, p0  }
0x20: {  	[sflag:s8] =	ssyncset.s32 @!p0 $0xFFFFF086;
	s6 =	sadd.s32 @!p0 s3, s7;
	s7 =	simm.s32 @!p0 $0x108  }
0x21: {  	s3 =	sadd.s32 s3, s9;
	s6 =	sadd.s32 @!p0 $0x88, s6;
	s7 =	simm.s32 @p2 $0x1082  }
0x22: {  	[simem:s7], [sflag:s8] =	dma.local @!p0 [hbm:s6], $0xF7A  }
0x23: {  	s9 =	sor.u32 $0xD0000000, s2;
	s6 =	simm.s32 $0x108;
	_ =	swait.ge @!p0 [sflag:s8], $0x0  }
0x24: {  	s3 =	sadd.s32 $0x88, s3;
	s6 =	simm.s32 @!p1 $0x1082;
	[sflag:s4] =	ssyncset.s32 $0xFFFFF086  }
0x25: {  	[simem:s6], [sflag:s4] =	dma.local [hbm:s3], $0xF7A  }
0x26: {  	[smem:$0x3F96] =	sst s1;
	(tag) =	ssettag s2;
	_ =	strace s9  }
0x27: {  	s1 =	sld [smem:$0x3FA6]  }
0x28: {  	s2 =	sld [smem:$0x3FA7]  }
0x29: {  	s4 =	sld [smem:$0x3FA9]  }
0x2a: {  	p0 =	seq.s32 s5, $0x0;
	s5 =	sld [smem:$0x3FAA]  }
0x2b: {  	s6 =	sld [smem:$0x3FAB]  }
0x2c: {  	s7 =	sld [smem:$0x3FAC]  }
0x2d: {  	s3 =	simm.s32 $0x108;
	s8 =	sld [smem:$0x3FAD]  }
0x2e: {  	s3 =	simm.s32 @!p0 $0x1082;
	s9 =	sld [smem:$0x3FAE]  }
0x2f: {  	lr =	sadd.s32 s0, s3;
	s0 =	sld [smem:$0x3FA5]  }
0x30: {  	s3 =	sld [smem:$0x3FA8]  }
0x31: {  	[smem:$0x3FB1] =	sst s10  }
0x32: {  	s10 =	sld [smem:$0x3FAF];
	_ =	sdelay $0x3  }
0x33: {  	p0 =	seq.s32 s10, $0x1;
	s10 =	sld [smem:$0x3FB1];
	_ =	sdelay $0x3  }
0x34: {  	[smem:$0x3FB1] =	sst s10  }
0x35: {  	s10 =	sld [smem:$0x3FB0];
	_ =	sdelay $0x3  }
0x36: {  	p1 =	seq.s32 s10, $0x1;
	s10 =	sld [smem:$0x3FB1];
	_ =	sdelay $0x3  }
0x37: {  	[smem:$0x3FB1] =	sst s10  }
0x38: {  	s10 =	sld [smem:$0x3FB2]  }
0x39: {  	_ = 	snop;
	(pc) =	sbr.ind lr, $3  }
0x3a: {  	_ = 	snop  }
0x3b: {  	_ = 	snop  }
0x3c: {  	p2 =	seq.s32 s10, $0x1;
	s10 =	sld [smem:$0x3FB1]  }
0x3d: {  	_ =	shalt  }
0x3e: {  	_ =	shalt  }
0x3f: {  	_ =	shalt  }
0x40: {  	_ =	shalt  }
0x41: {  	_ =	shalt  }
0x42: {  	_ =	shalt  }
0x43: {  	_ =	shalt  }
0x44: {  	_ =	shalt  }
0x45: {  	_ =	shalt  }
0x46: {  	_ =	shalt  }
0x47: {  	_ =	shalt  }
0x48: {  	_ =	shalt  }
0x49: {  	_ =	shalt  }
0x4a: {  	_ =	shalt  }
0x4b: {  	_ =	shalt  }
0x4c: {  	_ =	shalt  }
0x4d: {  	_ =	shalt  }
0x4e: {  	_ =	shalt  }
0x4f: {  	_ =	shalt  }
0x50: {  	_ =	shalt  }
0x51: {  	_ =	shalt  }
0x52: {  	_ =	shalt  }
0x53: {  	_ =	shalt  }
0x54: {  	_ =	shalt  }
0x55: {  	_ =	shalt  }
0x56: {  	_ =	shalt  }
0x57: {  	_ =	shalt  }
0x58: {  	_ =	shalt  }
0x59: {  	_ =	shalt  }
0x5a: {  	_ =	shalt  }
0x5b: {  	_ =	shalt  }
0x5c: {  	_ =	shalt  }
0x5d: {  	_ =	shalt  }
0x5e: {  	_ =	shalt  }
0x5f: {  	_ =	shalt  }
0x60: {  	_ =	shalt  }
0x61: {  	_ =	shalt  }
0x62: {  	_ =	shalt  }
0x63: {  	_ =	shalt  }
0x64: {  	_ =	shalt  }
0x65: {  	_ =	shalt  }
0x66: {  	_ =	shalt  }
0x67: {  	_ =	shalt  }
0x68: {  	_ =	shalt  }
0x69: {  	_ =	shalt  }
0x6a: {  	_ =	shalt  }
0x6b: {  	_ =	shalt  }
0x6c: {  	_ =	shalt  }
0x6d: {  	_ =	shalt  }
0x6e: {  	_ =	shalt  }
0x6f: {  	_ =	shalt  }
0x70: {  	_ =	shalt  }
0x71: {  	_ =	shalt  }
0x72: {  	_ =	shalt  }
0x73: {  	_ =	shalt  }
0x74: {  	_ =	shalt  }
0x75: {  	_ =	shalt  }
0x76: {  	_ =	shalt  }
0x77: {  	_ =	shalt  }
0x78: {  	_ =	shalt  }
0x79: {  	_ =	shalt  }
0x7a: {  	_ =	shalt  }
0x7b: {  	_ =	shalt  }
0x7c: {  	_ =	shalt  }
0x7d: {  	_ =	shalt  }
0x7e: {  	_ =	shalt  }
0x7f: {  	_ =	shalt  }
0x80: {  	_ =	shalt  }
0x81: {  	_ =	shalt  }
0x82: {  	_ =	shalt  }
0x83: {  	_ =	shalt  }
0x84: {  	_ =	shalt  }
0x85: {  	_ =	shalt  }
0x86: {  	_ =	shalt  }
0x87: {  	_ =	shalt  }
.Lfunc_end0:
.L_simem_size_0:
called_computation_lowered:
.L_overlay_start_0:
0x88: {  	s2 =	sld [smem:$0x3FD9]  }
0x89: {  	s3 =	sld [smem:$0x3FFE];
	_ =	sdelay $0x1  }
0x8a: {  	s1 =	srdreg.scid  }
0x8b: {  	s0 =	sand.u32 $0x1, s1  }
0x8c: {  	s14 =	sshll.u32 s0, $0xA;
	s2 =	sadd.s32 s3, s2  }
0x8d: {  	s2 =	sadd.s32 s2, s14  }
0x8e: {  	[smem:$0x3FBD] =	sst s2  }
0x8f: {  	_ = 	snop  }
0x90: {  	s2 =	sld [smem:$0x3FD0];
	_ =	sdelay $0x2  }
0x91: {  	s15 =	simm.s32 $0xA;
	s4 =	simm.s32 $0x10  }
0x92: {  	[smem:s4], [sflag:s15] =	dma.local [hbm:s2], $0x1  }
0x93: {  	_ =	swait.eq [sflag:s15], $0x1  }
0x94: {  	[sflag:s15] =	ssyncset.done $0x0  }
0x95: {  	s16 =	sld [smem:$0x10];
	[sflag:s15] =	ssyncadd.s32 $0xFFFFFFFF  }
0x96: {  	s17 =	sld [smem:$0x11];
	(tm) =	ssettm $0x1  }
0x97: {  	s18 =	sld [smem:$0x3FFB];
	_ =	sdelay $0x3  }
0x98: {  	_ =	strace s18  }
0x99: {  	s4 =	sld [smem:$0x3FFC];
	_ =	sdelay $0x3  }
0x9a: {  	_ =	strace s4  }
0x9b: {  	s4 =	sld [smem:$0x3FFD];
	_ =	sdelay $0x3  }
0x9c: {  	_ =	strace s4  }
0x9d: {  	_ =	strace $0x8FFFFFFF  }
0x9e: {  	s19 =	sld [smem:$0x3FDB];
	_ =	sdelay $0x1  }
0x9f: {  	s5 =	simm.s32 $_scs_section_size  }
0xa0: {  	s6 =	simm.s32 $_size__tile_overlayer_lowered;
	s7 =	simm.s32 $_tile_overlayer_lowered  }
0xa1: {  	s22 =	simm.s32 $0x1BFF;
	s21 =	sshll.u32 s7, $0x1;
	s4 =	sadd.s32 s5, s19  }
0xa2: {  	s8 =	simm.s32 $0x0;
	s20 =	sshll.u32 s6, $0x1;
	s6 =	sadd.s32 s21, s4  }
0xa3: {  	[timem:s8], [sflag:s22] =	dma.local [hbm:s6], s20  }
0xa4: {  	_ =	swait.ge [sflag:s22], s20  }
0xa5: {  	s5 =	ssub.s32 $0x0, s20;
	[sflag:s22] =	ssyncset.done $0x0  }
0xa6: {  	[sflag:s22] =	ssyncadd.s32 s5;
	_ =	sdelay $0x1  }
0xa7: {  	s23 =	simm.s32 $0x1B8B  }
0xa8: {  	_ =	swait.ge [sflag:s23], $0x1  }
0xa9: {  	[sflag:s23] =	ssyncset.done $0x0  }
0xaa: {  	s25 =	simm.s32 $0x1B8E;
	s24 =	sld [smem:$0x3FFE];
	[sflag:s23] =	ssyncadd.s32 $0xFFFFFFFF  }
0xab: {  	s26 =	simm.s32 $execute0_lowered;
	[smem:$0x3FD2] =	sst s25  }
0xac: {  	s6 =	sshll.u32 s26, $0x1;
	_ =	strace $0x80000046;
	[dreg:$0x1] =	wrdreg $0xFFFFFFFF  }
0xad: {  	s28 =	simm.s32 $_size_execute0_lowered;
	s4 =	sadd.s32 s4, s6;
	[dreg:$0x0] =	wrdreg $0x0  }
0xae: {  	s6 =	sshll.u32 s28, $0x1;
	[dreg:$0x2] =	wrdreg s4  }
0xaf: {  	[dreg:$0x3] =	wrdreg s6  }
0xb0: {  	[dreg:$0x4] =	wrdreg $0xC0  }
0xb1: {  	_ =	task [dreg:s8], $0x5FFFF  }
0xb2: {  	[dreg:$0x1] =	wrdreg $0xFFFFFFFF  }
0xb3: {  	[dreg:$0x0] =	wrdreg $0x60  }
0xb4: {  	[dreg:$0x2] =	wrdreg s24  }
0xb5: {  	[dreg:$0x3] =	wrdreg s16  }
0xb6: {  	[dreg:$0x4] =	wrdreg s17  }
0xb7: {  	[dreg:$0x5] =	wrdreg $0x9  }
0xb8: {  	_ =	task.clear_ibuf [dreg:s8], $0x6FFFF;
	_ =	strace $0x90000046  }
0xb9: {  	s29 =	simm.s32 $0x9;
	_ =	strace $0x80000048  }
0xba: {  	_ =	swait.ge [sflag:s29], $0x1  }
0xbb: {  	[sflag:s29] =	ssyncadd.s32 $0xFFFFFFFF  }
0xbc: {  	_ =	strace $0x90000048  }
0xbd: {  	_ =	sfence  }
0xbe: {  	s30 =	sld [smem:$0x0];
	_ =	sdelay $0x2  }
0xbf: {  	s31 =	sshll.u32 s1, $0xD;
	s1 =	sshrl.u32 s1, $0x2  }
0xc0: {  	s3 =	sand.u32 $0x4000, s31;
	s1 =	sadd.s32 s1, s30  }
0xc1: {  	s0 =	sor.u32 s3, s0;
	s1 =	sshll.u32 s1, $0x11  }
0xc2: {  	s0 =	sor.u32 s1, s0  }
0xc3: {  	s0 =	sadd.s32 $0x8F2B, s0  }
0xc4: {  	[sflag:s0] =	ssyncadd.remote.s32 $0x1  }
0xc5: {  	_ =	sfence.sel $0xFFFF  }
0xc6: {  	[dreg:$0x0] =	wrdreg $0xFFFFFFFF;
	(pc) =	sbr.abs _section_cstart, $3  }
0xc7: {  	[dreg:$0x1] =	wrdreg $0xFFFFFFFF  }
0xc8: {  	_ =	task.clear_ibuf [dreg:s8], $0x2FFFF;
	_ =	strace $0x9FFFFFFF  }
0xc9: {  	(tm) =	ssettm $0x7FFFFFFF  }
tec
execute0_lowered:
.L_overlay_start_1:
0x0: {  	(tag) =	ssettag $0x1  }
0x1: {  	s3 =	rddreg [dreg:$0x0]  }
0x2: {  	s5 =	rddreg [dreg:$0x1]  }
0x3: {  	s6 =	rddreg [dreg:$0x2]  }
0x4: {  	s0 =	rddreg [dreg:$0x3];
	s4 =	srdreg.scid  }
0x5: {  	s2 =	simm.s32 $0x0;
	s1 =	stileid.u32;
	s11 =	simm.s32 $0x1  }
0x6: {  	s12 =	simm.s32 $0x4000;
	s13 =	simm.s32 $0x8000;
	s14 =	simm.s32 $0x80  }
0x7: {  	s15 =	simm.s32 $0x100;
	s16 =	simm.s32 $0x8400;
	s17 =	simm.s32 $0x8800  }
0x8: {  	s18 =	simm.s32 $0x0;
	s4 =	sand.u32 $0x1, s4;
	s7 =	sshll.u32 s1, $0xB  }
0x9: {  	[smem:$0x7FF] =	sst s2;
	s8 =	sshll.u32 s4, $0xA;
	s4 =	ssub.s32 $0x2, s4  }
0xa: {  	_ =	strace $0x80000047;
	s7 =	sor.u32 s8, s7;
	s31 =	sshrl.u32 s4, $0x1  }
0xb: {  	s9 =	sadd.s32 s7, s3;
	s8 =	ssub.s32 s4, s31;
	s10 =	sshrl.u32 s7, $0x3  }
0xc: {  	s7 =	sshrl.u32 s7, $0x2;
	s3 =	sadd.s32 $0x2000, s9;
	s4 =	sadd.s32 $0x12000, s9  }
0xd: {  	s5 =	sadd.s32 s5, s10;
	s6 =	sadd.s32 s6, s7;
	s8 =	smax.u32 s8, $0x1  }
0xe: {  	v0 =	vimm.f32 $1.000000000e+00;
	v1 =	vimm.f32 $0.0e+00;
	v2 =	vlaneseq.u32;
	s9 =	simm.s32 $0x2000;
	s10 =	simm.s32 $0x40000;
	s7 =	sadd.s32 $0x10, s6  }
.LBB2_1:
0xf: {  	[tilespmem:s2], [sflag:$0x1] =	stream.strided.gather [hbm4b:s3+s9], $0x4000, s10, s9, $0x38;
	[tilespmem:$0x8C00] =	vst v63  }
0x10: {  	_ =	swait.ge [sflag:s11], $0x4000  }
0x11: {  	[sflag:s11] =	ssyncset.done $0x0  }
0x12: {  	[sflag:s11] =	ssyncadd.s32 $0xFFFFC000  }
0x13: {  	[tilespmem:s12], [sflag:$0x1] =	stream.strided.gather [hbm4b:s4+s9], $0x4000, s10, s9, $0x38;
	[tilespmem:$0x8C00] =	vst v63  }
0x14: {  	_ =	swait.ge [sflag:s11], $0x4000  }
0x15: {  	s19 =	sand.u32 $0x70, s2;
	s20 =	sand.u32 $0x1C00, s2;
	[sflag:s11] =	ssyncset.done $0x0  }
0x16: {  	s19 =	sor.u32 s19, s20;
	[sflag:s11] =	ssyncadd.s32 $0xFFFFC000  }
0x17: {  	v3 =	vld [tilespmem:s19+$0x80];
	_ =	sdelay $0x2  }
0x18: {  	v4 =	vld [tilespmem:s19+$0x0];
	_ =	sdelay $0x1  }
0x19: {  	v5 =	vld [tilespmem:s19+$0x100];
	vm0 =	vlt.f32 v3, $-Inf;
	vm1 =	vgt.f32 v3, $-Inf  }
0x1a: {  	vm0 =	vmor vm1, vm0  }
0x1b: {  	vm1 =	vmneg vm0  }
0x1c: {  	v6 =	vld [tilespmem:s19+$0x180];
	vm2 =	vgt.f32 v3, v4;
	v7 =	vsel vm1, $0xFF800000, v3  }
0x1d: {  	v7 =	vsel vm2, v4, v7  }
0x1e: {  	v3 =	vsel vm2, v3, v4;
	vm7 =	vgt.f32 v5, v7  }
0x1f: {  	v4 =	vld [tilespmem:s19+$0x200];
	vm8 =	vgt.f32 v5, v3;
	v7 =	vsel vm7, v5, v7  }
0x20: {  	v7 =	vsel vm8, v3, v7  }
0x21: {  	v3 =	vsel vm8, v5, v3;
	vm10 =	vgt.f32 v6, v7  }
0x22: {  	v45 =	vld [tilespmem:s19+$0x280];
	vm3 =	vgt.f32 v6, v3;
	v5 =	vsel vm10, v6, v7  }
0x23: {  	v5 =	vsel vm3, v3, v5  }
0x24: {  	v3 =	vsel vm3, v6, v3;
	vm9 =	vgt.f32 v4, v5  }
0x25: {  	v46 =	vld [tilespmem:s19+$0x300];
	vm4 =	vgt.f32 v4, v3;
	v5 =	vsel vm9, v4, v5  }
0x26: {  	v5 =	vsel vm4, v3, v5  }
0x27: {  	v3 =	vsel vm4, v4, v3;
	vm5 =	vgt.f32 v45, v5  }
0x28: {  	vm14 =	vgt.f32 v45, v3;
	v4 =	vsel vm5, v45, v5;
	v5 =	vld [tilespmem:s19+$0x380]  }
0x29: {  	v8 =	vsel vm2, $0x3F800000, v1;
	vm1 =	vmor vm2, vm1;
	v4 =	vsel vm14, v3, v4  }
0x2a: {  	v9 =	vsel vm1, $0x0, v0;
	v3 =	vsel vm14, v45, v3;
	vm6 =	vgt.f32 v46, v4  }
0x2b: {  	v48 =	vld [tilespmem:s19+$0x2000];
	v47 =	vsel vm7, $0x40000000, v9;
	vm15 =	vgt.f32 v46, v3;
	v4 =	vsel vm6, v46, v4  }
0x2c: {  	v7 =	vsel vm8, v8, v47;
	v4 =	vsel vm15, v3, v4  }
0x2d: {  	v8 =	vsel vm8, $0x40000000, v8;
	v3 =	vsel vm15, v46, v3;
	vm7 =	vgt.f32 v5, v4  }
0x2e: {  	v50 =	vld [tilespmem:s19+$0x2080];
	v49 =	vsel vm10, $0x40400000, v7;
	vm2 =	vgt.f32 v5, v3;
	v4 =	vsel vm7, v5, v4  }
0x2f: {  	v6 =	vsel vm3, v8, v49;
	v4 =	vsel vm2, v3, v4  }
0x30: {  	v8 =	vsel vm3, $0x40400000, v8;
	v3 =	vsel vm2, v5, v3;
	vm8 =	vgt.f32 v48, v4  }
0x31: {  	v51 =	vld [tilespmem:s19+$0x2100];
	v5 =	vsel vm9, $0x40800000, v6;
	vm3 =	vgt.f32 v48, v3;
	v4 =	vsel vm8, v48, v4  }
0x32: {  	v5 =	vsel vm4, v8, v5;
	v4 =	vsel vm3, v3, v4  }
0x33: {  	v8 =	vsel vm4, $0x40800000, v8;
	v3 =	vsel vm3, v48, v3;
	vm9 =	vgt.f32 v50, v4  }
0x34: {  	v52 =	vld [tilespmem:s19+$0x2180];
	v5 =	vsel vm5, $0x40A00000, v5;
	vm12 =	vgt.f32 v50, v3;
	v4 =	vsel vm9, v50, v4  }
0x35: {  	v5 =	vsel vm14, v8, v5;
	v4 =	vsel vm12, v3, v4  }
0x36: {  	v8 =	vsel vm14, $0x40A00000, v8;
	v3 =	vsel vm12, v50, v3;
	vm13 =	vgt.f32 v51, v4  }
0x37: {  	v53 =	vld [tilespmem:s19+$0x2200];
	v5 =	vsel vm6, $0x40C00000, v5;
	vm14 =	vgt.f32 v51, v3;
	v4 =	vsel vm13, v51, v4  }
0x38: {  	v5 =	vsel vm15, v8, v5;
	v4 =	vsel vm14, v3, v4  }
0x39: {  	v8 =	vsel vm15, $0x40C00000, v8;
	v3 =	vsel vm14, v51, v3;
	vm15 =	vgt.f32 v52, v4  }
0x3a: {  	v54 =	vld [tilespmem:s19+$0x2280];
	v5 =	vsel vm7, $0x40E00000, v5;
	vm1 =	vgt.f32 v52, v3;
	v4 =	vsel vm15, v52, v4  }
0x3b: {  	v5 =	vsel vm2, v8, v5;
	v4 =	vsel vm1, v3, v4  }
0x3c: {  	v8 =	vsel vm2, $0x40E00000, v8;
	v3 =	vsel vm1, v52, v3;
	vm7 =	vgt.f32 v53, v4  }
0x3d: {  	v55 =	vld [tilespmem:s19+$0x2300];
	v5 =	vsel vm8, $0x41000000, v5;
	vm2 =	vgt.f32 v53, v3;
	v4 =	vsel vm7, v53, v4  }
0x3e: {  	v5 =	vsel vm3, v8, v5;
	v4 =	vsel vm2, v3, v4  }
0x3f: {  	v8 =	vsel vm3, $0x41000000, v8;
	v3 =	vsel vm2, v53, v3;
	vm3 =	vgt.f32 v54, v4  }
0x40: {  	v56 =	vld [tilespmem:s19+$0x2380];
	v5 =	vsel vm9, $0x41100000, v5;
	vm8 =	vgt.f32 v54, v3;
	v4 =	vsel vm3, v54, v4  }
0x41: {  	v5 =	vsel vm12, v8, v5;
	v4 =	vsel vm8, v3, v4  }
0x42: {  	v8 =	vsel vm12, $0x41100000, v8;
	v3 =	vsel vm8, v54, v3;
	vm12 =	vgt.f32 v55, v4  }
0x43: {  	v5 =	vsel vm13, $0x41200000, v5;
	vm13 =	vgt.f32 v55, v3;
	v4 =	vsel vm12, v55, v4  }
0x44: {  	v57 =	vsel vm14, $0x41200000, v8;
	v4 =	vsel vm13, v3, v4  }
0x45: {  	v5 =	vsel vm14, v8, v5;
	v3 =	vsel vm13, v55, v3;
	vm14 =	vgt.f32 v56, v4  }
0x46: {  	v5 =	vsel vm15, $0x41300000, v5;
	vm15 =	vgt.f32 v56, v3;
	v4 =	vsel vm14, v56, v4  }
0x47: {  	v4 =	vsel vm15, v3, v4;
	v3 =	vsel vm15, v56, v3  }
0x48: {  	v5 =	vsel vm1, v57, v5;
	v3 =	vsub.f32 v4, v3  }
0x49: {  	v6 =	vsel vm1, $0x41300000, v57;
	v5 =	vsel vm7, $0x41400000, v5  }
0x4a: {  	v4 =	vsel vm2, v6, v5;
	v3 =	vmul.f32 $1.442695020e+00, v3  }
0x4b: {  	v5 =	vsel vm2, $0x41400000, v6;
	v4 =	vsel vm3, $0x41500000, v4  }
0x4c: {  	v4 =	vsel vm8, v5, v4;
	(erf) = vpow2.f32 v3  }
0x4d: {  	v5 =	vsel vm8, $0x41500000, v5;
	v4 =	vsel vm12, $0x41600000, v4  }
0x4e: {  	v3 =	vsel vm13, v5, v4  }
0x4f: {  	v4 =	vsel vm13, $0x41600000, v5;
	v3 =	vsel vm14, $0x41700000, v3  }
0x50: {  	v3 =	vsel vm15, v4, v3  }
0x51: {  	v4 =	vsel vm15, $0x41700000, v4;
	v3 =	vtrunc.f32 v3  }
0x52: {  	v59 =	vmov s2;
	v4 =	vtrunc.f32 v4;
	v3 =	vcvt.f32.s32 v3  }
0x53: {  	v7 =	vshll.u32 v59, $0x3;
	v5 =	vor.u32 s2, v2;
	v4 =	vcvt.f32.s32 v4  }
0x54: {  	v7 =	vand.u32 $0x1C00, v7;
	v5 =	vand.u32 $0x7F, v5;
	v58 =	vshll.u32 v3, $0xA  }
0x55: {  	v3 =	vshll.u32 v3, $0x7;
	v60 =	vshll.u32 v4, $0xA;
	v4 =	vshll.u32 v4, $0x7;
	v61 =	vpop (erf)  }
0x56: {  	v6 =	vand.u32 $0xFFFFE000, v58;
	v3 =	vand.u32 $0x380, v3;
	v10 =	vadd.f32 $1.000000000e+00, v61  }
0x57: {  	v4 =	vand.u32 $0x380, v4;
	v62 =	vand.u32 $0xFFFFE000, v60;
	v3 =	vor.u32 v6, v3  }
0x58: {  	v4 =	vor.u32 v62, v4;
	v3 =	vor.u32 v7, v3;
	(erf) = vrcp.f32 v10  }
0x59: {  	v4 =	vor.u32 v7, v4;
	v3 =	vor.u32 v5, v3  }
0x5a: {  	v4 =	vor.u32 v5, v4;
	_ =	sdelay $0x3  }
0x5b: {  	v5 =	vld.idx.msk [tilespmem:v3+s12+$0x0], $0xffff  }
0x5c: {  	v4 =	vld.idx.msk [tilespmem:v4+s12+$0x0], $0xffff;
	_ =	sdelay $0x1  }
0x5d: {  	v63 =	vpop (erf)  }
0x5e: {  	v3 =	vmul.f32 v63, v61;
	_ =	sdelay $0x1  }
0x5f: {  	v4 =	vmul.f32 v63, v4;
	v5 =	vmul.f32 v3, v5;
	_ =	sdelay $0x1  }
0x60: {  	v4 =	vadd.f32 v5, v4  }
0x61: {  	s22 =	simm.s32 $0x10;
	s29 =	simm.s32 $0x20;
	s23 =	simm.s32 $0x80  }
0x62: {  	s24 =	simm.s32 $0x8800;
	s21 =	simm.s32 $0x8000;
	s26 =	sand.u32 $0x70, s22;
	[tilespmem:s13+$0x0] =	vst v4  }
0x63: {  	s28 =	sand.u32 $0x1C00, s23;
	s20 =	simm.s32 $0x8410;
	s19 =	simm.s32 $0x8810;
	[tilespmem:s16+$0x0] =	vst v63  }
.LBB2_2:
0x64: {  	s28 =	sor.u32 s26, s28;
	s21 =	sadd.s32 $0x10, s21  }
0x65: {  	[tilespmem:s24+$0x0] =	vst v3;
	s26 =	smov.u32 s29;
	s25 =	sadd.s32 $0x10, s29;
	s24 =	smov.u32 s19  }
0x66: {  	p0 =	sne.s32 s29, $0x3F0;
	v3 =	vld [tilespmem:s28+$0x80];
	_ =	sdelay $0x2  }
0x67: {  	v4 =	vld [tilespmem:s28+$0x0];
	_ =	sdelay $0x1  }
0x68: {  	vm0 =	vlt.f32 v3, $-Inf;
	vm1 =	vgt.f32 v3, $-Inf;
	v5 =	vld [tilespmem:s28+$0x100]  }
0x69: {  	vm0 =	vmor vm1, vm0  }
0x6a: {  	vm0 =	vmneg vm0;
	v6 =	vld [tilespmem:s28+$0x180]  }
0x6b: {  	vm1 =	vgt.f32 v3, v4;
	v7 =	vsel vm0, $0xFF800000, v3  }
0x6c: {  	vm0 =	vmor vm1, vm0;
	v7 =	vsel vm1, v4, v7;
	v8 =	vsel vm1, $0x3F800000, v1;
	v9 =	vld [tilespmem:s28+$0x200]  }
0x6d: {  	v3 =	vsel vm1, v3, v4;
	v10 =	vsel vm0, $0x0, v0;
	vm0 =	vgt.f32 v5, v7  }
0x6e: {  	vm1 =	vgt.f32 v5, v3;
	v4 =	vsel vm0, $0x40000000, v10;
	v7 =	vsel vm0, v5, v7  }
0x6f: {  	v4 =	vsel vm1, v8, v4;
	v7 =	vsel vm1, v3, v7;
	v3 =	vsel vm1, v5, v3  }
0x70: {  	v5 =	vsel vm1, $0x40000000, v8;
	vm0 =	vgt.f32 v6, v3;
	vm1 =	vgt.f32 v6, v7  }
0x71: {  	v4 =	vsel vm1, $0x40400000, v4;
	v7 =	vsel vm1, v6, v7;
	v6 =	vsel vm0, v6, v3;
	v8 =	vld [tilespmem:s28+$0x280]  }
0x72: {  	v4 =	vsel vm0, v5, v4;
	v3 =	vsel vm0, v3, v7;
	vm1 =	vgt.f32 v9, v6  }
0x73: {  	v5 =	vsel vm0, $0x40400000, v5;
	vm0 =	vgt.f32 v9, v3;
	v7 =	vsel vm1, v9, v6  }
0x74: {  	v4 =	vsel vm0, $0x40800000, v4;
	v3 =	vsel vm0, v9, v3;
	v9 =	vld [tilespmem:s28+$0x300]  }
0x75: {  	v4 =	vsel vm1, v5, v4;
	v3 =	vsel vm1, v6, v3  }
0x76: {  	v5 =	vsel vm1, $0x40800000, v5;
	vm0 =	vgt.f32 v8, v3  }
0x77: {  	vm1 =	vgt.f32 v8, v7;
	v4 =	vsel vm0, $0x40A00000, v4;
	v3 =	vsel vm0, v8, v3;
	v6 =	vld [tilespmem:s28+$0x380]  }
0x78: {  	v4 =	vsel vm1, v5, v4;
	v3 =	vsel vm1, v7, v3;
	v7 =	vsel vm1, v8, v7  }
0x79: {  	v5 =	vsel vm1, $0x40A00000, v5;
	vm0 =	vgt.f32 v9, v3  }
0x7a: {  	vm1 =	vgt.f32 v9, v7;
	v4 =	vsel vm0, $0x40C00000, v4;
	v3 =	vsel vm0, v9, v3;
	v8 =	vld [tilespmem:s28+$0x2000]  }
0x7b: {  	v10 =	vsel vm1, $0x40C00000, v5;
	v3 =	vsel vm1, v7, v3;
	v7 =	vsel vm1, v9, v7  }
0x7c: {  	v4 =	vsel vm1, v5, v4;
	vm0 =	vgt.f32 v6, v3  }
0x7d: {  	vm1 =	vgt.f32 v6, v7;
	v4 =	vsel vm0, $0x40E00000, v4;
	v3 =	vsel vm0, v6, v3;
	v5 =	vld [tilespmem:s28+$0x2080]  }
0x7e: {  	v9 =	vsel vm1, $0x40E00000, v10;
	v6 =	vsel vm1, v6, v7;
	v3 =	vsel vm1, v7, v3  }
0x7f: {  	v4 =	vsel vm1, v10, v4;
	vm0 =	vgt.f32 v8, v3  }
0x80: {  	vm1 =	vgt.f32 v8, v6;
	v4 =	vsel vm0, $0x41000000, v4;
	v3 =	vsel vm0, v8, v3;
	v7 =	vld [tilespmem:s28+$0x2100]  }
0x81: {  	v4 =	vsel vm1, v9, v4;
	v3 =	vsel vm1, v6, v3;
	v9 =	vsel vm1, $0x41000000, v9  }
0x82: {  	v6 =	vsel vm1, v8, v6;
	vm0 =	vgt.f32 v5, v3  }
0x83: {  	vm1 =	vgt.f32 v5, v6;
	v4 =	vsel vm0, $0x41100000, v4;
	v3 =	vsel vm0, v5, v3;
	v8 =	vld [tilespmem:s28+$0x2180]  }
0x84: {  	v4 =	vsel vm1, v9, v4;
	v3 =	vsel vm1, v6, v3;
	v9 =	vsel vm1, $0x41100000, v9  }
0x85: {  	v5 =	vsel vm1, v5, v6;
	vm0 =	vgt.f32 v7, v3  }
0x86: {  	vm1 =	vgt.f32 v7, v5;
	v4 =	vsel vm0, $0x41200000, v4;
	v3 =	vsel vm0, v7, v3;
	v6 =	vld [tilespmem:s28+$0x2200]  }
0x87: {  	v4 =	vsel vm1, v9, v4;
	v3 =	vsel vm1, v5, v3;
	v5 =	vsel vm1, v7, v5  }
0x88: {  	v7 =	vsel vm1, $0x41200000, v9;
	vm0 =	vgt.f32 v8, v3  }
0x89: {  	vm1 =	vgt.f32 v8, v5;
	v4 =	vsel vm0, $0x41300000, v4;
	v3 =	vsel vm0, v8, v3;
	v9 =	vld [tilespmem:s28+$0x2280]  }
0x8a: {  	v10 =	vsel vm1, $0x41300000, v7;
	v3 =	vsel vm1, v5, v3;
	v5 =	vsel vm1, v8, v5  }
0x8b: {  	v4 =	vsel vm1, v7, v4;
	vm0 =	vgt.f32 v6, v3  }
0x8c: {  	vm1 =	vgt.f32 v6, v5;
	v4 =	vsel vm0, $0x41400000, v4;
	v3 =	vsel vm0, v6, v3;
	v7 =	vld [tilespmem:s28+$0x2300]  }
0x8d: {  	v4 =	vsel vm1, v10, v4;
	v3 =	vsel vm1, v5, v3;
	v5 =	vsel vm1, v6, v5  }
0x8e: {  	v6 =	vsel vm1, $0x41400000, v10;
	vm0 =	vgt.f32 v9, v3  }
0x8f: {  	vm1 =	vgt.f32 v9, v5;
	v4 =	vsel vm0, $0x41500000, v4;
	v3 =	vsel vm0, v9, v3;
	v8 =	vld [tilespmem:s28+$0x2380]  }
0x90: {  	v4 =	vsel vm1, v6, v4;
	v3 =	vsel vm1, v5, v3;
	v5 =	vsel vm1, v9, v5  }
0x91: {  	v6 =	vsel vm1, $0x41500000, v6;
	vm0 =	vgt.f32 v7, v3  }
0x92: {  	vm1 =	vgt.f32 v7, v5;
	v4 =	vsel vm0, $0x41600000, v4;
	v3 =	vsel vm0, v7, v3  }
0x93: {  	v4 =	vsel vm1, v6, v4;
	v3 =	vsel vm1, v5, v3  }
0x94: {  	v6 =	vsel vm1, $0x41600000, v6;
	v5 =	vsel vm1, v7, v5;
	vm0 =	vgt.f32 v8, v3  }
0x95: {  	vm1 =	vgt.f32 v8, v5;
	v4 =	vsel vm0, $0x41700000, v4;
	v3 =	vsel vm0, v8, v3  }
0x96: {  	v4 =	vsel vm1, v6, v4;
	v3 =	vsel vm1, v5, v3;
	v5 =	vsel vm1, v8, v5  }
0x97: {  	v6 =	vsel vm1, $0x41700000, v6;
	v3 =	vsub.f32 v3, v5;
	v4 =	vtrunc.f32 v4  }
0x98: {  	v5 =	vtrunc.f32 v6;
	v4 =	vcvt.f32.s32 v4  }
0x99: {  	v6 =	vor.u32 s22, v2;
	v5 =	vcvt.f32.s32 v5;
	v3 =	vmul.f32 $1.442695020e+00, v3  }
0x9a: {  	v7 =	vmov s22;
	s22 =	smov.u32 s26;
	v8 =	vshll.u32 v4, $0xA;
	v4 =	vshll.u32 v4, $0x7  }
0x9b: {  	v8 =	vand.u32 $0xFFFFE000, v8;
	v4 =	vand.u32 $0x380, v4;
	(erf) = vpow2.f32 v3  }
0x9c: {  	v7 =	vshll.u32 v7, $0x3;
	v3 =	vshll.u32 v5, $0xA;
	v5 =	vshll.u32 v5, $0x7  }
0x9d: {  	v7 =	vand.u32 $0x1C00, v7;
	v5 =	vand.u32 $0x380, v5;
	v4 =	vor.u32 v8, v4  }
0x9e: {  	v6 =	vand.u32 $0x7F, v6;
	v3 =	vand.u32 $0xFFFFE000, v3;
	v4 =	vor.u32 v7, v4  }
0x9f: {  	v3 =	vor.u32 v3, v5;
	v4 =	vor.u32 v6, v4  }
0xa0: {  	v3 =	vor.u32 v7, v3  }
0xa1: {  	v3 =	vor.u32 v6, v3;
	_ =	sdelay $0x2  }
0xa2: {  	v5 =	vpop (erf)  }
0xa3: {  	v6 =	vadd.f32 $1.000000000e+00, v5;
	_ =	sdelay $0x1  }
0xa4: {  	(erf) = vrcp.f32 v6;
	_ =	sdelay $0x4  }
0xa5: {  	v4 =	vld.idx.msk [tilespmem:v4+s12+$0x0], $0xffff  }
0xa6: {  	v6 =	vld.idx.msk [tilespmem:v3+s12+$0x0], $0xffff;
	_ =	sdelay $0x2  }
0xa7: {  	v7 =	vpop (erf)  }
0xa8: {  	v3 =	vmul.f32 v7, v5;
	_ =	sdelay $0x1  }
0xa9: {  	v5 =	vmul.f32 v7, v6;
	v4 =	vmul.f32 v3, v4  }
.Ltmp0:
0xaa: {  	(pc) =	sbr.rel @p0 .LBB2_2-.Ltmp0, $3  }
0xab: {  	v4 =	vadd.f32 v4, v5;
	_ =	sdelay $0x1  }
0xac: {  	s23 =	sadd.s32 $0x80, s23;
	s19 =	sadd.s32 $0x10, s19;
	s29 =	smov.u32 s25;
	[tilespmem:s21+$0x0] =	vst v4  }
0xad: {  	s28 =	sand.u32 $0x1C00, s23;
	s26 =	sand.u32 $0x70, s22;
	[tilespmem:s20+$0x0] =	vst v7;
	s20 =	sadd.s32 $0x10, s20  }
0xae: {  	s23 =	sor.u32 s26, s28;
	[tilespmem:s24+$0x0] =	vst v3  }
0xaf: {  	v3 =	vld [tilespmem:s23+$0x80];
	_ =	sdelay $0x2  }
0xb0: {  	v4 =	vld [tilespmem:s23+$0x0];
	_ =	sdelay $0x1  }
0xb1: {  	v5 =	vld [tilespmem:s23+$0x100];
	vm0 =	vlt.f32 v3, $-Inf;
	vm1 =	vgt.f32 v3, $-Inf  }
0xb2: {  	vm0 =	vmor vm1, vm0  }
0xb3: {  	vm1 =	vmneg vm0  }
0xb4: {  	v6 =	vld [tilespmem:s23+$0x180];
	vm2 =	vgt.f32 v3, v4;
	v7 =	vsel vm1, $0xFF800000, v3  }
0xb5: {  	v7 =	vsel vm2, v4, v7  }
0xb6: {  	v3 =	vsel vm2, v3, v4;
	vm7 =	vgt.f32 v5, v7  }
0xb7: {  	v35 =	vld [tilespmem:s23+$0x200];
	vm8 =	vgt.f32 v5, v3;
	v7 =	vsel vm7, v5, v7  }
0xb8: {  	v7 =	vsel vm8, v3, v7  }
0xb9: {  	v3 =	vsel vm8, v5, v3;
	vm10 =	vgt.f32 v6, v7  }
0xba: {  	v37 =	vld [tilespmem:s23+$0x280];
	vm3 =	vgt.f32 v6, v3;
	v36 =	vsel vm10, v6, v7  }
0xbb: {  	v5 =	vsel vm3, v3, v36  }
0xbc: {  	v3 =	vsel vm3, v6, v3;
	vm9 =	vgt.f32 v35, v5  }
0xbd: {  	v38 =	vld [tilespmem:s23+$0x300];
	vm4 =	vgt.f32 v35, v3;
	v5 =	vsel vm9, v35, v5  }
0xbe: {  	v5 =	vsel vm4, v3, v5  }
0xbf: {  	v3 =	vsel vm4, v35, v3;
	vm5 =	vgt.f32 v37, v5  }
0xc0: {  	v40 =	vld [tilespmem:s23+$0x380];
	vm14 =	vgt.f32 v37, v3;
	v39 =	vsel vm5, v37, v5  }
0xc1: {  	v8 =	vsel vm2, $0x3F800000, v1;
	vm1 =	vmor vm2, vm1;
	v4 =	vsel vm14, v3, v39  }
0xc2: {  	v9 =	vsel vm1, $0x0, v0;
	v3 =	vsel vm14, v37, v3;
	vm6 =	vgt.f32 v38, v4  }
0xc3: {  	v42 =	vld [tilespmem:s23+$0x2000];
	v41 =	vsel vm7, $0x40000000, v9;
	vm15 =	vgt.f32 v38, v3;
	v4 =	vsel vm6, v38, v4  }
0xc4: {  	v7 =	vsel vm8, v8, v41;
	v4 =	vsel vm15, v3, v4  }
0xc5: {  	v8 =	vsel vm8, $0x40000000, v8;
	v3 =	vsel vm15, v38, v3;
	vm7 =	vgt.f32 v40, v4  }
0xc6: {  	v44 =	vld [tilespmem:s23+$0x2080];
	v43 =	vsel vm10, $0x40400000, v7;
	vm2 =	vgt.f32 v40, v3;
	v4 =	vsel vm7, v40, v4  }
0xc7: {  	v6 =	vsel vm3, v8, v43;
	v4 =	vsel vm2, v3, v4  }
0xc8: {  	v8 =	vsel vm3, $0x40400000, v8;
	v3 =	vsel vm2, v40, v3;
	vm8 =	vgt.f32 v42, v4  }
0xc9: {  	v46 =	vld [tilespmem:s23+$0x2100];
	v45 =	vsel vm9, $0x40800000, v6;
	vm3 =	vgt.f32 v42, v3;
	v4 =	vsel vm8, v42, v4  }
0xca: {  	v5 =	vsel vm4, v8, v45;
	v4 =	vsel vm3, v3, v4  }
0xcb: {  	v8 =	vsel vm4, $0x40800000, v8;
	v3 =	vsel vm3, v42, v3;
	vm9 =	vgt.f32 v44, v4  }
0xcc: {  	v47 =	vld [tilespmem:s23+$0x2180];
	v5 =	vsel vm5, $0x40A00000, v5;
	vm12 =	vgt.f32 v44, v3;
	v4 =	vsel vm9, v44, v4  }
0xcd: {  	v5 =	vsel vm14, v8, v5;
	v4 =	vsel vm12, v3, v4  }
0xce: {  	v8 =	vsel vm14, $0x40A00000, v8;
	v3 =	vsel vm12, v44, v3;
	vm13 =	vgt.f32 v46, v4  }
0xcf: {  	v48 =	vld [tilespmem:s23+$0x2200];
	v5 =	vsel vm6, $0x40C00000, v5;
	vm14 =	vgt.f32 v46, v3;
	v4 =	vsel vm13, v46, v4  }
0xd0: {  	v5 =	vsel vm15, v8, v5;
	v4 =	vsel vm14, v3, v4  }
0xd1: {  	v8 =	vsel vm15, $0x40C00000, v8;
	v3 =	vsel vm14, v46, v3;
	vm15 =	vgt.f32 v47, v4  }
0xd2: {  	v49 =	vld [tilespmem:s23+$0x2280];
	v5 =	vsel vm7, $0x40E00000, v5;
	vm1 =	vgt.f32 v47, v3;
	v4 =	vsel vm15, v47, v4  }
0xd3: {  	v5 =	vsel vm2, v8, v5;
	v4 =	vsel vm1, v3, v4  }
0xd4: {  	v8 =	vsel vm2, $0x40E00000, v8;
	v3 =	vsel vm1, v47, v3;
	vm7 =	vgt.f32 v48, v4  }
0xd5: {  	v50 =	vld [tilespmem:s23+$0x2300];
	v5 =	vsel vm8, $0x41000000, v5;
	vm2 =	vgt.f32 v48, v3;
	v4 =	vsel vm7, v48, v4  }
0xd6: {  	v5 =	vsel vm3, v8, v5;
	v4 =	vsel vm2, v3, v4  }
0xd7: {  	v8 =	vsel vm3, $0x41000000, v8;
	v3 =	vsel vm2, v48, v3;
	vm3 =	vgt.f32 v49, v4  }
0xd8: {  	v51 =	vld [tilespmem:s23+$0x2380];
	v5 =	vsel vm9, $0x41100000, v5;
	vm8 =	vgt.f32 v49, v3;
	v4 =	vsel vm3, v49, v4  }
0xd9: {  	v5 =	vsel vm12, v8, v5;
	v4 =	vsel vm8, v3, v4  }
0xda: {  	v8 =	vsel vm12, $0x41100000, v8;
	v3 =	vsel vm8, v49, v3;
	vm12 =	vgt.f32 v50, v4  }
0xdb: {  	v5 =	vsel vm13, $0x41200000, v5;
	vm13 =	vgt.f32 v50, v3;
	v4 =	vsel vm12, v50, v4  }
0xdc: {  	v52 =	vsel vm14, $0x41200000, v8;
	v4 =	vsel vm13, v3, v4  }
0xdd: {  	v5 =	vsel vm14, v8, v5;
	v3 =	vsel vm13, v50, v3;
	vm14 =	vgt.f32 v51, v4  }
0xde: {  	v5 =	vsel vm15, $0x41300000, v5;
	vm15 =	vgt.f32 v51, v3;
	v4 =	vsel vm14, v51, v4  }
0xdf: {  	v4 =	vsel vm15, v3, v4;
	v3 =	vsel vm15, v51, v3  }
0xe0: {  	v3 =	vsub.f32 v4, v3;
	_ =	sdelay $0x1  }
0xe1: {  	v5 =	vsel vm1, v52, v5;
	v3 =	vmul.f32 $1.442695020e+00, v3  }
0xe2: {  	v6 =	vsel vm1, $0x41300000, v52;
	v5 =	vsel vm7, $0x41400000, v5  }
0xe3: {  	v53 =	vsel vm2, v6, v5;
	(erf) = vpow2.f32 v3  }
0xe4: {  	v54 =	vsel vm2, $0x41400000, v6;
	v4 =	vsel vm3, $0x41500000, v53  }
0xe5: {  	v5 =	vsel vm8, $0x41500000, v54;
	v4 =	vsel vm8, v54, v4  }
0xe6: {  	v55 =	vsel vm13, $0x41600000, v5;
	v4 =	vsel vm12, $0x41600000, v4  }
0xe7: {  	v3 =	vsel vm13, v5, v4;
	v4 =	vsel vm15, $0x41700000, v55  }
0xe8: {  	v58 =	vmov s22;
	v3 =	vsel vm14, $0x41700000, v3;
	v4 =	vtrunc.f32 v4  }
0xe9: {  	v7 =	vshll.u32 v58, $0x3;
	v3 =	vsel vm15, v55, v3;
	v4 =	vcvt.f32.s32 v4  }
0xea: {  	v56 =	vor.u32 s22, v2;
	v7 =	vand.u32 $0x1C00, v7;
	v3 =	vtrunc.f32 v3  }
0xeb: {  	v3 =	vcvt.f32.s32 v3;
	v59 =	vshll.u32 v4, $0xA;
	v4 =	vshll.u32 v4, $0x7  }
0xec: {  	v5 =	vand.u32 $0x7F, v56;
	v4 =	vand.u32 $0x380, v4;
	v61 =	vand.u32 $0xFFFFE000, v59;
	v60 =	vpop (erf)  }
0xed: {  	v57 =	vshll.u32 v3, $0xA;
	v3 =	vshll.u32 v3, $0x7;
	v10 =	vadd.f32 $1.000000000e+00, v60  }
0xee: {  	v4 =	vor.u32 v61, v4;
	v6 =	vand.u32 $0xFFFFE000, v57;
	v3 =	vand.u32 $0x380, v3  }
0xef: {  	v4 =	vor.u32 v7, v4;
	v3 =	vor.u32 v6, v3;
	(erf) = vrcp.f32 v10  }
0xf0: {  	v4 =	vor.u32 v5, v4;
	v3 =	vor.u32 v7, v3  }
0xf1: {  	v3 =	vor.u32 v5, v3;
	_ =	sdelay $0x3  }
0xf2: {  	v4 =	vld.idx.msk [tilespmem:v4+s12+$0x0], $0xffff  }
0xf3: {  	v3 =	vld.idx.msk [tilespmem:v3+s12+$0x0], $0xffff;
	_ =	sdelay $0x1  }
0xf4: {  	v62 =	vpop (erf)  }
0xf5: {  	v63 =	vmul.f32 v62, v60;
	_ =	sdelay $0x1  }
0xf6: {  	v4 =	vmul.f32 v62, v4;
	v3 =	vmul.f32 v63, v3;
	_ =	sdelay $0x1  }
0xf7: {  	v3 =	vadd.f32 v3, v4  }
0xf8: {  	s21 =	sadd.s32 $0x10, s21  }
0xf9: {  	[tilespmem:s21+$0x0] =	vst v3  }
0xfa: {  	[tilespmem:s20+$0x0] =	vst v62  }
0xfb: {  	[tilespmem:s19+$0x0] =	vst v63  }
0xfc: {  	[hbm4b:s5+s2] =	stream.linear.scatter [tilespmem:s13], [sflag:$0x1], $0x400, $0x38;
	[tilespmem:$0x8C00] =	vst v63  }
0xfd: {  	_ =	swait.ge [sflag:s11], $0x400  }
0xfe: {  	[sflag:s11] =	ssyncset.done $0x0  }
0xff: {  	[sflag:s11] =	ssyncadd.s32 $0xFFFFFC00  }
0x100: {  	[hbm4b:s6+s14] =	stream.strided.scatter [tilespmem:s16], [sflag:$0x1], $0x400, s15, s14, $0x38;
	[tilespmem:$0x8C00] =	vst v63  }
0x101: {  	s18 =	sadd.s32 $0x1, s18;
	_ =	swait.ge [sflag:s11], $0x400  }
0x102: {  	p0 =	sne.s32 s18, s8;
	[sflag:s11] =	ssyncset.done $0x0  }
.Ltmp1:
0x103: {  	[sflag:s11] =	ssyncadd.s32 $0xFFFFFC00;
	(pc) =	sbr.rel @p0 .LBB2_1-.Ltmp1, $4  }
0x104: {  	[hbm4b:s7+s14] =	stream.strided.scatter [tilespmem:s17], [sflag:$0x1], $0x400, s15, s14, $0x38;
	[tilespmem:$0x8C00] =	vst v63  }
0x105: {  	_ =	swait.ge [sflag:s11], $0x400  }
0x106: {  	[sflag:s11] =	ssyncset.done $0x0  }
0x107: {  	[sflag:s11] =	ssyncadd.s32 $0xFFFFFC00  }
0x108: {  	_ =	sfence.sel $0x180000  }
0x109: {  	[bflag:$0x0] =	sbarrier.arrive $0xFFFF  }
0x10a: {  	p0 =	sne.s32 s1, $0x0;
	_ =	strace $0x90000047  }
0x10b: {  	s0 =	sadd.s32 @!p0 $0x100000, s0;
	[bflag:$0x2] =	sbarrier.arrive $0xFFFF  }
0x10c: {  	[sflag:s0] =	ssyncadd.tile.s32 @!p0 $0x1;
	_ =	shalt  }
.Lfunc_end2:
_tile_overlayer_lowered:
.L_overlay_start_2:
0x10d: {  	(tag) =	ssettag $0x2  }
0x10e: {  	s0 =	rddreg [dreg:$0x0];
	s2 =	stileid.u32  }
0x10f: {  	s1 =	rddreg [dreg:$0x1];
	p0 =	sne.s32 s2, $0x0  }
0x110: {  	s3 =	rddreg [dreg:$0x2];
	[bflag:$0x3] =	sbarrier.arrive $0xFFFF;
	s2 =	simm.s32 @!p0 $0x1C01  }
0x111: {  	[timem:s3], [sflag:s2] =	dma.local @!p0 [hbm:s0], s1  }
0x112: {  	s0 =	simm.s32 @!p0 $0x1  }
0x113: {  	_ =	swait.ge @!p0 [sflag:s0], s1  }
0x114: {  	s1 =	ssub.s32 @!p0 $0x0, s1;
	[sflag:s0] =	ssyncset.done @!p0 $0x0  }
0x115: {  	[sflag:s0] =	ssyncadd.s32 @!p0 s1  }
0x116: {  	[bflag:$0x3] =	sbarrier.arrive $0xFFFF  }
0x117: {  	_ =	shalt  }

</sc_bundles>
